<compile_context>
chip_gen: v7x
topology: tpu7x:2x2x1
jax: 0.10.2.dev20260603
libtpu: 0.0.44.dev20260713+nightly
codegen_flags: <defaults>
</compile_context>

<pallas_src>
import functools

import jax
import jax.numpy as jnp
from jax import lax
from jax.experimental import pallas as pl
from jax.experimental.pallas import tpu as pltpu
from jax.experimental.pallas import tpu_sc as plsc

_BETA = 0.5


def _minsq_kernel(bm, bk, n_k, x_sq_ref, w_sq_ref, x_ref, w2_ref, out_ref):
    x_sq = x_sq_ref[...]
    run_min = None
    for c in range(n_k):
        dotneg = lax.dot_general(
            x_ref[...], w2_ref[pl.ds(c * bk, bk), :],
            dimension_numbers=(((1,), (1,)), ((), ())),
            preferred_element_type=jnp.float32,
        )
        sq = x_sq[:, None] + w_sq_ref[pl.ds(c * bk, bk)][None, :] + dotneg
        cmin = jnp.min(sq, axis=1)
        run_min = cmin if c == 0 else jnp.minimum(run_min, cmin)
    out_ref[0, 0, :] = run_min


def _argbelow_kernel(bm, bk, n_k, x_sq_ref, w_sq_ref, hi_ref, x_ref, w2_ref,
                     tok_ref):
    x_sq = x_sq_ref[...]
    hi = hi_ref[...]
    best = None
    for c in range(n_k):
        dotneg = lax.dot_general(
            x_ref[...], w2_ref[pl.ds(c * bk, bk), :],
            dimension_numbers=(((1,), (1,)), ((), ())),
            preferred_element_type=jnp.float32,
        )
        sq = x_sq[:, None] + w_sq_ref[pl.ds(c * bk, bk)][None, :] + dotneg
        iota = lax.broadcasted_iota(jnp.int32, (bm, bk), 1)
        cand = jnp.min(jnp.where(sq <= hi[:, None], iota, n_k * bk),
                       axis=1) + c * bk
        best = cand if c == 0 else jnp.minimum(best, cand)
    tok_ref[0, 0, :] = best


def _tc_stage(kernel_body, extra_vec_inputs, out_dtype, flat_x, w2, x_sq,
              w_sq, bm, bk):
    m_total, d = flat_x.shape
    k_total = w2.shape[0]
    n_m = m_total // bm
    n_k = k_total // bk
    vec_specs = [pl.BlockSpec((bm,), lambda m: (m,))
                 for _ in range(len(extra_vec_inputs))]
    out3 = pl.pallas_call(
        functools.partial(kernel_body, bm, bk, n_k),
        grid=(n_m,),
        in_specs=[
            pl.BlockSpec((bm,), lambda m: (m,)),
            pl.BlockSpec((k_total,), lambda m: (0,)),
            *vec_specs,
            pl.BlockSpec((bm, d), lambda m: (m, 0)),
            pl.BlockSpec((k_total, d), lambda m: (0, 0)),
        ],
        out_specs=pl.BlockSpec((1, 1, bm), lambda m: (m, 0, 0)),
        out_shape=jax.ShapeDtypeStruct((n_m, 1, bm), out_dtype),
        compiler_params=pltpu.CompilerParams(
            vmem_limit_bytes=100 * 1024 * 1024,
        ),
    )(x_sq, w_sq, *extra_vec_inputs, flat_x, w2)
    return out3.reshape(m_total)


def _sc_gather(table, idx):
    v, d = table.shape
    m_total = idx.shape[0]
    nw = 32
    b_per_w = m_total // nw
    chunk = 192
    n_chunks = b_per_w // chunk
    mesh = plsc.VectorSubcoreMesh(core_axis_name="c", subcore_axis_name="s")

    @functools.partial(
        pl.kernel,
        mesh=mesh,
        out_type=jax.ShapeDtypeStruct((m_total, d), jnp.float32),
        scratch_types=[
            pltpu.VMEM((chunk,), jnp.int32),
            pltpu.VMEM((chunk,), jnp.int32),
            pltpu.VMEM((chunk, d), jnp.float32),
            pltpu.VMEM((chunk, d), jnp.float32),
            pltpu.SemaphoreType.DMA,
            pltpu.SemaphoreType.DMA,
            pltpu.SemaphoreType.DMA,
        ],
    )
    def gather_kernel(table_hbm, idx_hbm, out_hbm, idx_v0, idx_v1,
                      rows_v0, rows_v1, gsem, osem0, osem1):
        wid = lax.axis_index("s") * 2 + lax.axis_index("c")
        base = wid * b_per_w
        idx_vs = (idx_v0, idx_v1)
        rows_vs = (rows_v0, rows_v1)
        osems = (osem0, osem1)
        outs = []
        for j in range(n_chunks):
            b = j % 2
            if j >= 2:
                outs[j - 2].wait()
            off = base + j * chunk
            pltpu.sync_copy(idx_hbm.at[pl.ds(off, chunk)], idx_vs[b])
            pltpu.async_copy(table_hbm.at[idx_vs[b]], rows_vs[b],
                             gsem).wait()
            outs.append(pltpu.async_copy(rows_vs[b],
                                         out_hbm.at[pl.ds(off, chunk)],
                                         osems[b]))
        for op in outs[-2:]:
            op.wait()

    return gather_kernel(table, idx)


def kernel(x, w):
    b, n, d = x.shape
    m_total = b * n
    flat_x = x.reshape(-1, d)
    x_sq = jnp.sum(flat_x * flat_x, axis=1)
    w_sq = jnp.sum(w * w, axis=1)
    w2 = -2.0 * w

    min_sq = _tc_stage(_minsq_kernel, [], jnp.float32,
                       flat_x, w2, x_sq, w_sq, bm=1024, bk=2048)
    best_d = jnp.sqrt(jnp.maximum(min_sq, 0.0))
    v0i = lax.bitcast_convert_type(best_d * best_d, jnp.int32)
    hi = None
    for koff in range(-4, 5):
        vk = lax.bitcast_convert_type(jnp.maximum(v0i + koff, 0),
                                      jnp.float32)
        ok = jnp.sqrt(jnp.maximum(vk, 0.0)) == best_d
        cand = jnp.where(ok, vk, -jnp.inf)
        hi = cand if hi is None else jnp.maximum(hi, cand)

    tokens_flat = _tc_stage(_argbelow_kernel, [hi], jnp.int32,
                            flat_x, w2, x_sq, w_sq, bm=1024, bk=2048)
    vq_loss = jnp.sum(best_d * best_d) * ((1.0 + _BETA) / (m_total * d))

    quantized = _sc_gather(w, tokens_flat).reshape(b, n, d)
    tokens = tokens_flat.reshape(b, n)
    quantized_st = x + (quantized - x)
    return (tokens, quantized_st, vq_loss)

# --- scband reference (transcript-rebuilt; emitter-appended) ---
"""Pipeline reference for scband-shared-vector-quantizer-26706106646575 (READ-ONLY COPY).

The authoritative reference and input builder live on the scoring server;
editing this copy changes nothing except your own understanding.
"""

import jax, jax.numpy as jnp
import numpy as np

VOCAB_SIZE = 8192
EMBED_DIM = 256
B = 32
N = 576
BETA = 0.5


def setup_inputs(seed: int = 0) -> dict:
    key = jax.random.key(seed)
    k1, k2 = jax.random.split(key)
    x = jax.random.normal(k1, (B, N, EMBED_DIM), dtype=jnp.float32)
    # nn.Embedding weight initialized with normal(mean=0, std=0.02)
    W = jax.random.normal(k2, (VOCAB_SIZE, EMBED_DIM), dtype=jnp.float32) * 0.02
    return {"x": x, "W": W}


def reference(x, W):
    Bb, Nn, Dd = x.shape
    flat_x = x.reshape(-1, Dd)
    # torch.cdist (p=2 Euclidean) between flat_x [B*N, D] and codebook [K, D]
    x_sq = jnp.sum(flat_x * flat_x, axis=1, keepdims=True)
    w_sq = jnp.sum(W * W, axis=1)
    sq_dist = x_sq + w_sq[None, :] - 2.0 * (flat_x @ W.T)
    distances = jnp.sqrt(jnp.maximum(sq_dist, 0.0))
    tokens_flat = jnp.argmin(distances, axis=1)
    tokens = tokens_flat.reshape(Bb, Nn)
    # quantized = self.embedding(tokens)
    quantized = jnp.take(W, tokens, axis=0)
    # losses
    commitment_loss = jnp.mean((jax.lax.stop_gradient(quantized) - x) ** 2)
    embedding_loss = jnp.mean((quantized - jax.lax.stop_gradient(x)) ** 2)
    vq_loss = embedding_loss + BETA * commitment_loss
    # straight-through estimator
    quantized_st = x + jax.lax.stop_gradient(quantized - x)
    return (tokens, quantized_st, vq_loss)

if __name__ == "__main__":
    import jax
    _d = setup_inputs()
    print(jax.jit(kernel)(*tuple(_d.values())))

</pallas_src>

<mosaic_0001>
#map = affine_map<(d0, d1) -> (0, 0)>
#map1 = affine_map<(d0, d1) -> (0)>
module attributes {stable_mosaic.version = 14 : i64} {
  func.func @gather_kernel(%arg0: i32, %arg1: i32, %arg2: memref<8192x256xf32, #tpu.memory_space<hbm>>, %arg3: memref<18432xi32, #tpu.memory_space<hbm>>, %arg4: memref<18432x256xf32, #tpu.memory_space<hbm>>, %arg5: memref<192xi32, #tpu.memory_space<vmem>>, %arg6: memref<192xi32, #tpu.memory_space<vmem>>, %arg7: memref<192x256xf32, #tpu.memory_space<vmem>>, %arg8: memref<192x256xf32, #tpu.memory_space<vmem>>, %arg9: memref<!tpu.dma_semaphore, #tpu.memory_space<semaphore_mem>>, %arg10: memref<!tpu.dma_semaphore, #tpu.memory_space<semaphore_mem>>, %arg11: memref<!tpu.dma_semaphore, #tpu.memory_space<semaphore_mem>>) attributes {dimension_semantics = [#tpu.dimension_semantics<core_parallel>, #tpu.dimension_semantics<subcore_parallel>], iteration_bounds = array<i64: 2, 16>, scalar_prefetch = 0 : i64, scratch_operands = 7 : i64, tpu.core_type = #tpu.core_type<sc_vector_subcore>, window_params = [{transform_indices = #map}, {transform_indices = #map1}, {transform_indices = #map}]} {
    %mul3A = arith.constant 2 : i32
    %mul3A_0 = arith.muli %arg1, %mul3A : i32
    %add3A = arith.addi %mul3A_0, %arg0 : i32
    %mul3A_1 = arith.constant 576 : i32
    %mul3A_2 = arith.muli %add3A, %mul3A_1 : i32
    %add3A_3 = arith.constant 0 : i32
    %add3A_4 = arith.addi %mul3A_2, %add3A_3 : i32
    "tpu.region"() ({
      %run_scoped3A = tpu.sem_alloc : memref<!tpu.dma_semaphore, #tpu.memory_space<semaphore_mem>>
      %dma_start3A_49 = tpu.memref_slice %arg3[%add3A_4] : memref<18432xi32, #tpu.memory_space<hbm>> -> memref<192xi32, #tpu.memory_space<hbm>>
      %dma_start3A_50 = tpu.memref_slice %arg3[%add3A_4] : memref<18432xi32, #tpu.memory_space<hbm>> -> memref<192xi32, #tpu.memory_space<hbm>>
      tpu.enqueue_dma source(%dma_start3A_50 : memref<192xi32, #tpu.memory_space<hbm>>) target(%arg5 : memref<192xi32, #tpu.memory_space<vmem>>) target_semaphore(%run_scoped3A : memref<!tpu.dma_semaphore, #tpu.memory_space<semaphore_mem>>)
      %dma_wait3A_51 = tpu.memref_slice %arg3[%add3A_4] : memref<18432xi32, #tpu.memory_space<hbm>> -> memref<192xi32, #tpu.memory_space<hbm>>
      %dma_wait3A_52 = tpu.memref_slice %arg3[%add3A_4] : memref<18432xi32, #tpu.memory_space<hbm>> -> memref<192xi32, #tpu.memory_space<hbm>>
      tpu.wait_dma2 semaphore(%run_scoped3A : memref<!tpu.dma_semaphore, #tpu.memory_space<semaphore_mem>>) src(%dma_wait3A_52 : memref<192xi32, #tpu.memory_space<hbm>>) dst(%arg5 : memref<192xi32, #tpu.memory_space<vmem>>)
      tpu.yield
    }) : () -> ()
    %dma_start3A = arith.constant 0 : i32
    %dma_start3A_5 = arith.constant 0 : i32
    %dma_start3A_6 = tpu.memref_slice %arg2[%dma_start3A, %dma_start3A_5] : memref<8192x256xf32, #tpu.memory_space<hbm>> -> memref<8192x256xf32, #tpu.memory_space<hbm>>
    tpu.enqueue_indirect_dma source(%dma_start3A_6 : memref<8192x256xf32, #tpu.memory_space<hbm>>) target(%arg7 : memref<192x256xf32, #tpu.memory_space<vmem>>) offsets(%arg5 : memref<192xi32, #tpu.memory_space<vmem>>) semaphore(%arg9 : memref<!tpu.dma_semaphore, #tpu.memory_space<semaphore_mem>>)
    %dma_wait3A = arith.constant 0 : i32
    %dma_wait3A_7 = arith.constant 0 : i32
    %dma_wait3A_8 = tpu.memref_slice %arg2[%dma_wait3A, %dma_wait3A_7] : memref<8192x256xf32, #tpu.memory_space<hbm>> -> memref<8192x256xf32, #tpu.memory_space<hbm>>
    tpu.wait_indirect_dma semaphore(%arg9 : memref<!tpu.dma_semaphore, #tpu.memory_space<semaphore_mem>>) src(%dma_wait3A_8 : memref<8192x256xf32, #tpu.memory_space<hbm>>) dst(%arg7 : memref<192x256xf32, #tpu.memory_space<vmem>>)
    %dma_start3A_9 = arith.constant 0 : i32
    %dma_start3A_10 = tpu.memref_slice %arg4[%add3A_4, %dma_start3A_9] : memref<18432x256xf32, #tpu.memory_space<hbm>> -> memref<192x256xf32, #tpu.memory_space<hbm>>
    %dma_start3A_11 = arith.constant 0 : i32
    %dma_start3A_12 = tpu.memref_slice %arg4[%add3A_4, %dma_start3A_11] : memref<18432x256xf32, #tpu.memory_space<hbm>> -> memref<192x256xf32, #tpu.memory_space<hbm>>
    tpu.enqueue_dma source(%arg7 : memref<192x256xf32, #tpu.memory_space<vmem>>) target(%dma_start3A_12 : memref<192x256xf32, #tpu.memory_space<hbm>>) target_semaphore(%arg10 : memref<!tpu.dma_semaphore, #tpu.memory_space<semaphore_mem>>)
    %add3A_13 = arith.constant 192 : i32
    %add3A_14 = arith.addi %mul3A_2, %add3A_13 : i32
    "tpu.region"() ({
      %run_scoped3A = tpu.sem_alloc : memref<!tpu.dma_semaphore, #tpu.memory_space<semaphore_mem>>
      %dma_start3A_49 = tpu.memref_slice %arg3[%add3A_14] : memref<18432xi32, #tpu.memory_space<hbm>> -> memref<192xi32, #tpu.memory_space<hbm>>
      %dma_start3A_50 = tpu.memref_slice %arg3[%add3A_14] : memref<18432xi32, #tpu.memory_space<hbm>> -> memref<192xi32, #tpu.memory_space<hbm>>
      tpu.enqueue_dma source(%dma_start3A_50 : memref<192xi32, #tpu.memory_space<hbm>>) target(%arg6 : memref<192xi32, #tpu.memory_space<vmem>>) target_semaphore(%run_scoped3A : memref<!tpu.dma_semaphore, #tpu.memory_space<semaphore_mem>>)
      %dma_wait3A_51 = tpu.memref_slice %arg3[%add3A_14] : memref<18432xi32, #tpu.memory_space<hbm>> -> memref<192xi32, #tpu.memory_space<hbm>>
      %dma_wait3A_52 = tpu.memref_slice %arg3[%add3A_14] : memref<18432xi32, #tpu.memory_space<hbm>> -> memref<192xi32, #tpu.memory_space<hbm>>
      tpu.wait_dma2 semaphore(%run_scoped3A : memref<!tpu.dma_semaphore, #tpu.memory_space<semaphore_mem>>) src(%dma_wait3A_52 : memref<192xi32, #tpu.memory_space<hbm>>) dst(%arg6 : memref<192xi32, #tpu.memory_space<vmem>>)
      tpu.yield
    }) : () -> ()
    %dma_start3A_15 = arith.constant 0 : i32
    %dma_start3A_16 = arith.constant 0 : i32
    %dma_start3A_17 = tpu.memref_slice %arg2[%dma_start3A_15, %dma_start3A_16] : memref<8192x256xf32, #tpu.memory_space<hbm>> -> memref<8192x256xf32, #tpu.memory_space<hbm>>
    tpu.enqueue_indirect_dma source(%dma_start3A_17 : memref<8192x256xf32, #tpu.memory_space<hbm>>) target(%arg8 : memref<192x256xf32, #tpu.memory_space<vmem>>) offsets(%arg6 : memref<192xi32, #tpu.memory_space<vmem>>) semaphore(%arg9 : memref<!tpu.dma_semaphore, #tpu.memory_space<semaphore_mem>>)
    %dma_wait3A_18 = arith.constant 0 : i32
    %dma_wait3A_19 = arith.constant 0 : i32
    %dma_wait3A_20 = tpu.memref_slice %arg2[%dma_wait3A_18, %dma_wait3A_19] : memref<8192x256xf32, #tpu.memory_space<hbm>> -> memref<8192x256xf32, #tpu.memory_space<hbm>>
    tpu.wait_indirect_dma semaphore(%arg9 : memref<!tpu.dma_semaphore, #tpu.memory_space<semaphore_mem>>) src(%dma_wait3A_20 : memref<8192x256xf32, #tpu.memory_space<hbm>>) dst(%arg8 : memref<192x256xf32, #tpu.memory_space<vmem>>)
    %dma_start3A_21 = arith.constant 0 : i32
    %dma_start3A_22 = tpu.memref_slice %arg4[%add3A_14, %dma_start3A_21] : memref<18432x256xf32, #tpu.memory_space<hbm>> -> memref<192x256xf32, #tpu.memory_space<hbm>>
    %dma_start3A_23 = arith.constant 0 : i32
    %dma_start3A_24 = tpu.memref_slice %arg4[%add3A_14, %dma_start3A_23] : memref<18432x256xf32, #tpu.memory_space<hbm>> -> memref<192x256xf32, #tpu.memory_space<hbm>>
    tpu.enqueue_dma source(%arg8 : memref<192x256xf32, #tpu.memory_space<vmem>>) target(%dma_start3A_24 : memref<192x256xf32, #tpu.memory_space<hbm>>) target_semaphore(%arg11 : memref<!tpu.dma_semaphore, #tpu.memory_space<semaphore_mem>>)
    %dma_wait3A_25 = arith.constant 0 : i32
    %dma_wait3A_26 = tpu.memref_slice %arg4[%add3A_4, %dma_wait3A_25] : memref<18432x256xf32, #tpu.memory_space<hbm>> -> memref<192x256xf32, #tpu.memory_space<hbm>>
    %dma_wait3A_27 = arith.constant 0 : i32
    %dma_wait3A_28 = tpu.memref_slice %arg4[%add3A_4, %dma_wait3A_27] : memref<18432x256xf32, #tpu.memory_space<hbm>> -> memref<192x256xf32, #tpu.memory_space<hbm>>
    tpu.wait_dma2 semaphore(%arg10 : memref<!tpu.dma_semaphore, #tpu.memory_space<semaphore_mem>>) src(%arg7 : memref<192x256xf32, #tpu.memory_space<vmem>>) dst(%dma_wait3A_28 : memref<192x256xf32, #tpu.memory_space<hbm>>)
    %add3A_29 = arith.constant 384 : i32
    %add3A_30 = arith.addi %mul3A_2, %add3A_29 : i32
    "tpu.region"() ({
      %run_scoped3A = tpu.sem_alloc : memref<!tpu.dma_semaphore, #tpu.memory_space<semaphore_mem>>
      %dma_start3A_49 = tpu.memref_slice %arg3[%add3A_30] : memref<18432xi32, #tpu.memory_space<hbm>> -> memref<192xi32, #tpu.memory_space<hbm>>
      %dma_start3A_50 = tpu.memref_slice %arg3[%add3A_30] : memref<18432xi32, #tpu.memory_space<hbm>> -> memref<192xi32, #tpu.memory_space<hbm>>
      tpu.enqueue_dma source(%dma_start3A_50 : memref<192xi32, #tpu.memory_space<hbm>>) target(%arg5 : memref<192xi32, #tpu.memory_space<vmem>>) target_semaphore(%run_scoped3A : memref<!tpu.dma_semaphore, #tpu.memory_space<semaphore_mem>>)
      %dma_wait3A_51 = tpu.memref_slice %arg3[%add3A_30] : memref<18432xi32, #tpu.memory_space<hbm>> -> memref<192xi32, #tpu.memory_space<hbm>>
      %dma_wait3A_52 = tpu.memref_slice %arg3[%add3A_30] : memref<18432xi32, #tpu.memory_space<hbm>> -> memref<192xi32, #tpu.memory_space<hbm>>
      tpu.wait_dma2 semaphore(%run_scoped3A : memref<!tpu.dma_semaphore, #tpu.memory_space<semaphore_mem>>) src(%dma_wait3A_52 : memref<192xi32, #tpu.memory_space<hbm>>) dst(%arg5 : memref<192xi32, #tpu.memory_space<vmem>>)
      tpu.yield
    }) : () -> ()
    %dma_start3A_31 = arith.constant 0 : i32
    %dma_start3A_32 = arith.constant 0 : i32
    %dma_start3A_33 = tpu.memref_slice %arg2[%dma_start3A_31, %dma_start3A_32] : memref<8192x256xf32, #tpu.memory_space<hbm>> -> memref<8192x256xf32, #tpu.memory_space<hbm>>
    tpu.enqueue_indirect_dma source(%dma_start3A_33 : memref<8192x256xf32, #tpu.memory_space<hbm>>) target(%arg7 : memref<192x256xf32, #tpu.memory_space<vmem>>) offsets(%arg5 : memref<192xi32, #tpu.memory_space<vmem>>) semaphore(%arg9 : memref<!tpu.dma_semaphore, #tpu.memory_space<semaphore_mem>>)
    %dma_wait3A_34 = arith.constant 0 : i32
    %dma_wait3A_35 = arith.constant 0 : i32
    %dma_wait3A_36 = tpu.memref_slice %arg2[%dma_wait3A_34, %dma_wait3A_35] : memref<8192x256xf32, #tpu.memory_space<hbm>> -> memref<8192x256xf32, #tpu.memory_space<hbm>>
    tpu.wait_indirect_dma semaphore(%arg9 : memref<!tpu.dma_semaphore, #tpu.memory_space<semaphore_mem>>) src(%dma_wait3A_36 : memref<8192x256xf32, #tpu.memory_space<hbm>>) dst(%arg7 : memref<192x256xf32, #tpu.memory_space<vmem>>)
    %dma_start3A_37 = arith.constant 0 : i32
    %dma_start3A_38 = tpu.memref_slice %arg4[%add3A_30, %dma_start3A_37] : memref<18432x256xf32, #tpu.memory_space<hbm>> -> memref<192x256xf32, #tpu.memory_space<hbm>>
    %dma_start3A_39 = arith.constant 0 : i32
    %dma_start3A_40 = tpu.memref_slice %arg4[%add3A_30, %dma_start3A_39] : memref<18432x256xf32, #tpu.memory_space<hbm>> -> memref<192x256xf32, #tpu.memory_space<hbm>>
    tpu.enqueue_dma source(%arg7 : memref<192x256xf32, #tpu.memory_space<vmem>>) target(%dma_start3A_40 : memref<192x256xf32, #tpu.memory_space<hbm>>) target_semaphore(%arg10 : memref<!tpu.dma_semaphore, #tpu.memory_space<semaphore_mem>>)
    %dma_wait3A_41 = arith.constant 0 : i32
    %dma_wait3A_42 = tpu.memref_slice %arg4[%add3A_14, %dma_wait3A_41] : memref<18432x256xf32, #tpu.memory_space<hbm>> -> memref<192x256xf32, #tpu.memory_space<hbm>>
    %dma_wait3A_43 = arith.constant 0 : i32
    %dma_wait3A_44 = tpu.memref_slice %arg4[%add3A_14, %dma_wait3A_43] : memref<18432x256xf32, #tpu.memory_space<hbm>> -> memref<192x256xf32, #tpu.memory_space<hbm>>
    tpu.wait_dma2 semaphore(%arg11 : memref<!tpu.dma_semaphore, #tpu.memory_space<semaphore_mem>>) src(%arg8 : memref<192x256xf32, #tpu.memory_space<vmem>>) dst(%dma_wait3A_44 : memref<192x256xf32, #tpu.memory_space<hbm>>)
    %dma_wait3A_45 = arith.constant 0 : i32
    %dma_wait3A_46 = tpu.memref_slice %arg4[%add3A_30, %dma_wait3A_45] : memref<18432x256xf32, #tpu.memory_space<hbm>> -> memref<192x256xf32, #tpu.memory_space<hbm>>
    %dma_wait3A_47 = arith.constant 0 : i32
    %dma_wait3A_48 = tpu.memref_slice %arg4[%add3A_30, %dma_wait3A_47] : memref<18432x256xf32, #tpu.memory_space<hbm>> -> memref<192x256xf32, #tpu.memory_space<hbm>>
    tpu.wait_dma2 semaphore(%arg10 : memref<!tpu.dma_semaphore, #tpu.memory_space<semaphore_mem>>) src(%arg7 : memref<192x256xf32, #tpu.memory_space<vmem>>) dst(%dma_wait3A_48 : memref<192x256xf32, #tpu.memory_space<hbm>>)
    return
  }
}

module attributes {stable_mosaic.version = 14 : i64} {
  func.func @_minsq_kernel(%arg0: i32, %arg1: memref<1024xf32, #tpu.memory_space<vmem>>, %arg2: memref<8192xf32, #tpu.memory_space<vmem>>, %arg3: memref<1024x256xf32, #tpu.memory_space<vmem>>, %arg4: memref<8192x256xf32, #tpu.memory_space<vmem>>, %arg5: memref<1x1x1024xf32, #tpu.memory_space<vmem>>) attributes {dimension_semantics = [#tpu.dimension_semantics<arbitrary>], iteration_bounds = array<i64: 18>, scalar_prefetch = 0 : i64, scratch_operands = 0 : i64, tpu.core_type = #tpu.core_type<tc>, window_params = [{transform_indices = @transform_0, window_bounds = array<i64: 1024>}, {pipeline_mode = #tpu.pipeline_mode<synchronous>, transform_indices = @transform_1, window_bounds = array<i64: 8192>}, {transform_indices = @transform_2, window_bounds = array<i64: 1024, 256>}, {pipeline_mode = #tpu.pipeline_mode<synchronous>, transform_indices = @transform_3, window_bounds = array<i64: 8192, 256>}, {transform_indices = @transform_4, window_bounds = array<i64: 1, 1, 1024>}]} {
    %get3A = arith.constant 0 : index
    %get3A_0 = vector.load %arg1[%get3A] : memref<1024xf32, #tpu.memory_space<vmem>>, vector<1024xf32>
    %get3A_1 = arith.constant 0 : index
    %get3A_2 = arith.constant 0 : index
    %get3A_3 = vector.load %arg3[%get3A_1, %get3A_2] : memref<1024x256xf32, #tpu.memory_space<vmem>>, vector<1024x256xf32>
    %get3A_4 = arith.constant 0 : index
    %get3A_5 = arith.constant 0 : index
    %get3A_6 = vector.load %arg4[%get3A_4, %get3A_5] : memref<8192x256xf32, #tpu.memory_space<vmem>>, vector<2048x256xf32>
    %dot_general3A = arith.constant dense<0.000000e+00> : vector<1024x2048xf32>
    %dot_general3A_7 = tpu.matmul %get3A_3, %get3A_6, %dot_general3A {dimension_numbers = #tpu.dot_dimension_numbers<[1], [1], [0], [0], [0, 0, 1, 0], [], []>, transpose_lhs_hint = false} : vector<1024x256xf32>, vector<2048x256xf32>, vector<1024x2048xf32> -> vector<1024x2048xf32>
    %broadcast_in_dim3A = vector.shape_cast %get3A_0 : vector<1024xf32> to vector<1024x1xf32>
    %get3A_8 = arith.constant 0 : index
    %get3A_9 = vector.load %arg2[%get3A_8] : memref<8192xf32, #tpu.memory_space<vmem>>, vector<2048xf32>
    %broadcast_in_dim3A_10 = vector.shape_cast %get3A_9 : vector<2048xf32> to vector<1x2048xf32>
    %add3A = vector.broadcast %broadcast_in_dim3A : vector<1024x1xf32> to vector<1024x2048xf32>
    %add3A_11 = vector.broadcast %broadcast_in_dim3A_10 : vector<1x2048xf32> to vector<1024x2048xf32>
    %add3A_12 = arith.addf %add3A, %add3A_11 : vector<1024x2048xf32>
    %add3A_13 = arith.addf %add3A_12, %dot_general3A_7 : vector<1024x2048xf32>
    %reduce_min3A = arith.constant dense<0x7F800000> : vector<1024xf32>
    %reduce_min3A_14 = vector.multi_reduction <minimumf>, %add3A_13, %reduce_min3A [1] : vector<1024x2048xf32> to vector<1024xf32>
    %get3A_15 = arith.constant 0 : index
    %get3A_16 = arith.constant 0 : index
    %get3A_17 = vector.load %arg3[%get3A_15, %get3A_16] : memref<1024x256xf32, #tpu.memory_space<vmem>>, vector<1024x256xf32>
    %get3A_18 = arith.constant 2048 : index
    %get3A_19 = arith.constant 0 : index
    %get3A_20 = vector.load %arg4[%get3A_18, %get3A_19] : memref<8192x256xf32, #tpu.memory_space<vmem>>, vector<2048x256xf32>
    %dot_general3A_21 = arith.constant dense<0.000000e+00> : vector<1024x2048xf32>
    %dot_general3A_22 = tpu.matmul %get3A_17, %get3A_20, %dot_general3A_21 {dimension_numbers = #tpu.dot_dimension_numbers<[1], [1], [0], [0], [0, 0, 1, 0], [], []>, transpose_lhs_hint = false} : vector<1024x256xf32>, vector<2048x256xf32>, vector<1024x2048xf32> -> vector<1024x2048xf32>
    %broadcast_in_dim3A_23 = vector.shape_cast %get3A_0 : vector<1024xf32> to vector<1024x1xf32>
    %get3A_24 = arith.constant 2048 : index
    %get3A_25 = vector.load %arg2[%get3A_24] : memref<8192xf32, #tpu.memory_space<vmem>>, vector<2048xf32>
    %broadcast_in_dim3A_26 = vector.shape_cast %get3A_25 : vector<2048xf32> to vector<1x2048xf32>
    %add3A_27 = vector.broadcast %broadcast_in_dim3A_23 : vector<1024x1xf32> to vector<1024x2048xf32>
    %add3A_28 = vector.broadcast %broadcast_in_dim3A_26 : vector<1x2048xf32> to vector<1024x2048xf32>
    %add3A_29 = arith.addf %add3A_27, %add3A_28 : vector<1024x2048xf32>
    %add3A_30 = arith.addf %add3A_29, %dot_general3A_22 : vector<1024x2048xf32>
    %reduce_min3A_31 = arith.constant dense<0x7F800000> : vector<1024xf32>
    %reduce_min3A_32 = vector.multi_reduction <minimumf>, %add3A_30, %reduce_min3A_31 [1] : vector<1024x2048xf32> to vector<1024xf32>
    %min3A = arith.minimumf %reduce_min3A_14, %reduce_min3A_32 : vector<1024xf32>
    %get3A_33 = arith.constant 0 : index
    %get3A_34 = arith.constant 0 : index
    %get3A_35 = vector.load %arg3[%get3A_33, %get3A_34] : memref<1024x256xf32, #tpu.memory_space<vmem>>, vector<1024x256xf32>
    %get3A_36 = arith.constant 4096 : index
    %get3A_37 = arith.constant 0 : index
    %get3A_38 = vector.load %arg4[%get3A_36, %get3A_37] : memref<8192x256xf32, #tpu.memory_space<vmem>>, vector<2048x256xf32>
    %dot_general3A_39 = arith.constant dense<0.000000e+00> : vector<1024x2048xf32>
    %dot_general3A_40 = tpu.matmul %get3A_35, %get3A_38, %dot_general3A_39 {dimension_numbers = #tpu.dot_dimension_numbers<[1], [1], [0], [0], [0, 0, 1, 0], [], []>, transpose_lhs_hint = false} : vector<1024x256xf32>, vector<2048x256xf32>, vector<1024x2048xf32> -> vector<1024x2048xf32>
    %broadcast_in_dim3A_41 = vector.shape_cast %get3A_0 : vector<1024xf32> to vector<1024x1xf32>
    %get3A_42 = arith.constant 4096 : index
    %get3A_43 = vector.load %arg2[%get3A_42] : memref<8192xf32, #tpu.memory_space<vmem>>, vector<2048xf32>
    %broadcast_in_dim3A_44 = vector.shape_cast %get3A_43 : vector<2048xf32> to vector<1x2048xf32>
    %add3A_45 = vector.broadcast %broadcast_in_dim3A_41 : vector<1024x1xf32> to vector<1024x2048xf32>
    %add3A_46 = vector.broadcast %broadcast_in_dim3A_44 : vector<1x2048xf32> to vector<1024x2048xf32>
    %add3A_47 = arith.addf %add3A_45, %add3A_46 : vector<1024x2048xf32>
    %add3A_48 = arith.addf %add3A_47, %dot_general3A_40 : vector<1024x2048xf32>
    %reduce_min3A_49 = arith.constant dense<0x7F800000> : vector<1024xf32>
    %reduce_min3A_50 = vector.multi_reduction <minimumf>, %add3A_48, %reduce_min3A_49 [1] : vector<1024x2048xf32> to vector<1024xf32>
    %min3A_51 = arith.minimumf %min3A, %reduce_min3A_50 : vector<1024xf32>
    %get3A_52 = arith.constant 0 : index
    %get3A_53 = arith.constant 0 : index
    %get3A_54 = vector.load %arg3[%get3A_52, %get3A_53] : memref<1024x256xf32, #tpu.memory_space<vmem>>, vector<1024x256xf32>
    %get3A_55 = arith.constant 6144 : index
    %get3A_56 = arith.constant 0 : index
    %get3A_57 = vector.load %arg4[%get3A_55, %get3A_56] : memref<8192x256xf32, #tpu.memory_space<vmem>>, vector<2048x256xf32>
    %dot_general3A_58 = arith.constant dense<0.000000e+00> : vector<1024x2048xf32>
    %dot_general3A_59 = tpu.matmul %get3A_54, %get3A_57, %dot_general3A_58 {dimension_numbers = #tpu.dot_dimension_numbers<[1], [1], [0], [0], [0, 0, 1, 0], [], []>, transpose_lhs_hint = false} : vector<1024x256xf32>, vector<2048x256xf32>, vector<1024x2048xf32> -> vector<1024x2048xf32>
    %broadcast_in_dim3A_60 = vector.shape_cast %get3A_0 : vector<1024xf32> to vector<1024x1xf32>
    %get3A_61 = arith.constant 6144 : index
    %get3A_62 = vector.load %arg2[%get3A_61] : memref<8192xf32, #tpu.memory_space<vmem>>, vector<2048xf32>
    %broadcast_in_dim3A_63 = vector.shape_cast %get3A_62 : vector<2048xf32> to vector<1x2048xf32>
    %add3A_64 = vector.broadcast %broadcast_in_dim3A_60 : vector<1024x1xf32> to vector<1024x2048xf32>
    %add3A_65 = vector.broadcast %broadcast_in_dim3A_63 : vector<1x2048xf32> to vector<1024x2048xf32>
    %add3A_66 = arith.addf %add3A_64, %add3A_65 : vector<1024x2048xf32>
    %add3A_67 = arith.addf %add3A_66, %dot_general3A_59 : vector<1024x2048xf32>
    %reduce_min3A_68 = arith.constant dense<0x7F800000> : vector<1024xf32>
    %reduce_min3A_69 = vector.multi_reduction <minimumf>, %add3A_67, %reduce_min3A_68 [1] : vector<1024x2048xf32> to vector<1024xf32>
    %min3A_70 = arith.minimumf %min3A_51, %reduce_min3A_69 : vector<1024xf32>
    %swap3A = arith.constant 0 : index
    %swap3A_71 = arith.constant 0 : index
    %swap3A_72 = arith.constant 0 : index
    %swap3A_73 = vector.load %arg5[%swap3A, %swap3A_71, %swap3A_72] : memref<1x1x1024xf32, #tpu.memory_space<vmem>>, vector<1x1x1024xf32>
    %swap3A_74 = vector.shape_cast %swap3A_73 : vector<1x1x1024xf32> to vector<1024xf32>
    %swap3A_75 = vector.shape_cast %min3A_70 : vector<1024xf32> to vector<1x1x1024xf32>
    tpu.vector_store %arg5[%swap3A, %swap3A_71, %swap3A_72], %swap3A_75 {strides = array<i32>} : memref<1x1x1024xf32, #tpu.memory_space<vmem>>, vector<1x1x1024xf32>,
    return
  }
  func.func @transform_0(%arg0: i32) -> i32 {
    %c0_i32 = arith.constant 0 : i32
    return %arg0 : i32
  }
  func.func @transform_1(%arg0: i32) -> i32 {
    %c0_i32 = arith.constant 0 : i32
    %c0_i32_0 = arith.constant 0 : i32
    return %c0_i32 : i32
  }
  func.func @transform_2(%arg0: i32) -> (i32, i32) {
    %c0_i32 = arith.constant 0 : i32
    %c0_i32_0 = arith.constant 0 : i32
    return %arg0, %c0_i32 : i32, i32
  }
  func.func @transform_3(%arg0: i32) -> (i32, i32) {
    %c0_i32 = arith.constant 0 : i32
    %c0_i32_0 = arith.constant 0 : i32
    %c0_i32_1 = arith.constant 0 : i32
    return %c0_i32, %c0_i32_0 : i32, i32
  }
  func.func @transform_4(%arg0: i32) -> (i32, i32, i32) {
    %c0_i32 = arith.constant 0 : i32
    %c0_i32_0 = arith.constant 0 : i32
    %c0_i32_1 = arith.constant 0 : i32
    return %arg0, %c0_i32, %c0_i32_0 : i32, i32, i32
  }
}

module attributes {stable_mosaic.version = 14 : i64} {
  func.func @_argbelow_kernel(%arg0: i32, %arg1: memref<1024xf32, #tpu.memory_space<vmem>>, %arg2: memref<8192xf32, #tpu.memory_space<vmem>>, %arg3: memref<1024xf32, #tpu.memory_space<vmem>>, %arg4: memref<1024x256xf32, #tpu.memory_space<vmem>>, %arg5: memref<8192x256xf32, #tpu.memory_space<vmem>>, %arg6: memref<1x1x1024xi32, #tpu.memory_space<vmem>>) attributes {dimension_semantics = [#tpu.dimension_semantics<arbitrary>], iteration_bounds = array<i64: 18>, scalar_prefetch = 0 : i64, scratch_operands = 0 : i64, tpu.core_type = #tpu.core_type<tc>, window_params = [{transform_indices = @transform_0, window_bounds = array<i64: 1024>}, {pipeline_mode = #tpu.pipeline_mode<synchronous>, transform_indices = @transform_1, window_bounds = array<i64: 8192>}, {transform_indices = @transform_2, window_bounds = array<i64: 1024>}, {transform_indices = @transform_3, window_bounds = array<i64: 1024, 256>}, {pipeline_mode = #tpu.pipeline_mode<synchronous>, transform_indices = @transform_4, window_bounds = array<i64: 8192, 256>}, {transform_indices = @transform_5, window_bounds = array<i64: 1, 1, 1024>}]} {
    %get3A = arith.constant 0 : index
    %get3A_0 = vector.load %arg1[%get3A] : memref<1024xf32, #tpu.memory_space<vmem>>, vector<1024xf32>
    %get3A_1 = arith.constant 0 : index
    %get3A_2 = vector.load %arg3[%get3A_1] : memref<1024xf32, #tpu.memory_space<vmem>>, vector<1024xf32>
    %get3A_3 = arith.constant 0 : index
    %get3A_4 = arith.constant 0 : index
    %get3A_5 = vector.load %arg4[%get3A_3, %get3A_4] : memref<1024x256xf32, #tpu.memory_space<vmem>>, vector<1024x256xf32>
    %get3A_6 = arith.constant 0 : index
    %get3A_7 = arith.constant 0 : index
    %get3A_8 = vector.load %arg5[%get3A_6, %get3A_7] : memref<8192x256xf32, #tpu.memory_space<vmem>>, vector<2048x256xf32>
    %dot_general3A = arith.constant dense<0.000000e+00> : vector<1024x2048xf32>
    %dot_general3A_9 = tpu.matmul %get3A_5, %get3A_8, %dot_general3A {dimension_numbers = #tpu.dot_dimension_numbers<[1], [1], [0], [0], [0, 0, 1, 0], [], []>, transpose_lhs_hint = false} : vector<1024x256xf32>, vector<2048x256xf32>, vector<1024x2048xf32> -> vector<1024x2048xf32>
    %broadcast_in_dim3A = vector.shape_cast %get3A_0 : vector<1024xf32> to vector<1024x1xf32>
    %get3A_10 = arith.constant 0 : index
    %get3A_11 = vector.load %arg2[%get3A_10] : memref<8192xf32, #tpu.memory_space<vmem>>, vector<2048xf32>
    %broadcast_in_dim3A_12 = vector.shape_cast %get3A_11 : vector<2048xf32> to vector<1x2048xf32>
    %add3A = vector.broadcast %broadcast_in_dim3A : vector<1024x1xf32> to vector<1024x2048xf32>
    %add3A_13 = vector.broadcast %broadcast_in_dim3A_12 : vector<1x2048xf32> to vector<1024x2048xf32>
    %add3A_14 = arith.addf %add3A, %add3A_13 : vector<1024x2048xf32>
    %add3A_15 = arith.addf %add3A_14, %dot_general3A_9 : vector<1024x2048xf32>
    %iota3A = tpu.iota {dimensions = array<i32: 1>} : vector<1024x2048xi32>
    %broadcast_in_dim3A_16 = vector.shape_cast %get3A_2 : vector<1024xf32> to vector<1024x1xf32>
    %le3A = vector.broadcast %broadcast_in_dim3A_16 : vector<1024x1xf32> to vector<1024x2048xf32>
    %le3A_17 = arith.cmpf ole, %add3A_15, %le3A : vector<1024x2048xf32>
    %jit3A = arith.constant 8192 : i32
    %broadcast_in_dim3A_18 = vector.broadcast %jit3A : i32 to vector<1024x2048xi32>
    %select_n3A = arith.select %le3A_17, %iota3A, %broadcast_in_dim3A_18 : vector<1024x2048xi1>, vector<1024x2048xi32>
    %reduce_min3A = arith.constant dense<2147483647> : vector<1024xi32>
    %reduce_min3A_19 = vector.multi_reduction <minsi>, %select_n3A, %reduce_min3A [1] : vector<1024x2048xi32> to vector<1024xi32>
    %add3A_20 = arith.constant 0 : i32
    %add3A_21 = vector.broadcast %add3A_20 : i32 to vector<1024xi32>
    %add3A_22 = arith.addi %reduce_min3A_19, %add3A_21 : vector<1024xi32>
    %get3A_23 = arith.constant 0 : index
    %get3A_24 = arith.constant 0 : index
    %get3A_25 = vector.load %arg4[%get3A_23, %get3A_24] : memref<1024x256xf32, #tpu.memory_space<vmem>>, vector<1024x256xf32>
    %get3A_26 = arith.constant 2048 : index
    %get3A_27 = arith.constant 0 : index
    %get3A_28 = vector.load %arg5[%get3A_26, %get3A_27] : memref<8192x256xf32, #tpu.memory_space<vmem>>, vector<2048x256xf32>
    %dot_general3A_29 = arith.constant dense<0.000000e+00> : vector<1024x2048xf32>
    %dot_general3A_30 = tpu.matmul %get3A_25, %get3A_28, %dot_general3A_29 {dimension_numbers = #tpu.dot_dimension_numbers<[1], [1], [0], [0], [0, 0, 1, 0], [], []>, transpose_lhs_hint = false} : vector<1024x256xf32>, vector<2048x256xf32>, vector<1024x2048xf32> -> vector<1024x2048xf32>
    %broadcast_in_dim3A_31 = vector.shape_cast %get3A_0 : vector<1024xf32> to vector<1024x1xf32>
    %get3A_32 = arith.constant 2048 : index
    %get3A_33 = vector.load %arg2[%get3A_32] : memref<8192xf32, #tpu.memory_space<vmem>>, vector<2048xf32>
    %broadcast_in_dim3A_34 = vector.shape_cast %get3A_33 : vector<2048xf32> to vector<1x2048xf32>
    %add3A_35 = vector.broadcast %broadcast_in_dim3A_31 : vector<1024x1xf32> to vector<1024x2048xf32>
    %add3A_36 = vector.broadcast %broadcast_in_dim3A_34 : vector<1x2048xf32> to vector<1024x2048xf32>
    %add3A_37 = arith.addf %add3A_35, %add3A_36 : vector<1024x2048xf32>
    %add3A_38 = arith.addf %add3A_37, %dot_general3A_30 : vector<1024x2048xf32>
    %iota3A_39 = tpu.iota {dimensions = array<i32: 1>} : vector<1024x2048xi32>
    %broadcast_in_dim3A_40 = vector.shape_cast %get3A_2 : vector<1024xf32> to vector<1024x1xf32>
    %le3A_41 = vector.broadcast %broadcast_in_dim3A_40 : vector<1024x1xf32> to vector<1024x2048xf32>
    %le3A_42 = arith.cmpf ole, %add3A_38, %le3A_41 : vector<1024x2048xf32>
    %jit3A_43 = arith.constant 8192 : i32
    %broadcast_in_dim3A_44 = vector.broadcast %jit3A_43 : i32 to vector<1024x2048xi32>
    %select_n3A_45 = arith.select %le3A_42, %iota3A_39, %broadcast_in_dim3A_44 : vector<1024x2048xi1>, vector<1024x2048xi32>
    %reduce_min3A_46 = arith.constant dense<2147483647> : vector<1024xi32>
    %reduce_min3A_47 = vector.multi_reduction <minsi>, %select_n3A_45, %reduce_min3A_46 [1] : vector<1024x2048xi32> to vector<1024xi32>
    %add3A_48 = arith.constant 2048 : i32
    %add3A_49 = vector.broadcast %add3A_48 : i32 to vector<1024xi32>
    %add3A_50 = arith.addi %reduce_min3A_47, %add3A_49 : vector<1024xi32>
    %min3A = arith.minsi %add3A_22, %add3A_50 : vector<1024xi32>
    %get3A_51 = arith.constant 0 : index
    %get3A_52 = arith.constant 0 : index
    %get3A_53 = vector.load %arg4[%get3A_51, %get3A_52] : memref<1024x256xf32, #tpu.memory_space<vmem>>, vector<1024x256xf32>
    %get3A_54 = arith.constant 4096 : index
    %get3A_55 = arith.constant 0 : index
    %get3A_56 = vector.load %arg5[%get3A_54, %get3A_55] : memref<8192x256xf32, #tpu.memory_space<vmem>>, vector<2048x256xf32>
    %dot_general3A_57 = arith.constant dense<0.000000e+00> : vector<1024x2048xf32>
    %dot_general3A_58 = tpu.matmul %get3A_53, %get3A_56, %dot_general3A_57 {dimension_numbers = #tpu.dot_dimension_numbers<[1], [1], [0], [0], [0, 0, 1, 0], [], []>, transpose_lhs_hint = false} : vector<1024x256xf32>, vector<2048x256xf32>, vector<1024x2048xf32> -> vector<1024x2048xf32>
    %broadcast_in_dim3A_59 = vector.shape_cast %get3A_0 : vector<1024xf32> to vector<1024x1xf32>
    %get3A_60 = arith.constant 4096 : index
    %get3A_61 = vector.load %arg2[%get3A_60] : memref<8192xf32, #tpu.memory_space<vmem>>, vector<2048xf32>
    %broadcast_in_dim3A_62 = vector.shape_cast %get3A_61 : vector<2048xf32> to vector<1x2048xf32>
    %add3A_63 = vector.broadcast %broadcast_in_dim3A_59 : vector<1024x1xf32> to vector<1024x2048xf32>
    %add3A_64 = vector.broadcast %broadcast_in_dim3A_62 : vector<1x2048xf32> to vector<1024x2048xf32>
    %add3A_65 = arith.addf %add3A_63, %add3A_64 : vector<1024x2048xf32>
    %add3A_66 = arith.addf %add3A_65, %dot_general3A_58 : vector<1024x2048xf32>
    %iota3A_67 = tpu.iota {dimensions = array<i32: 1>} : vector<1024x2048xi32>
    %broadcast_in_dim3A_68 = vector.shape_cast %get3A_2 : vector<1024xf32> to vector<1024x1xf32>
    %le3A_69 = vector.broadcast %broadcast_in_dim3A_68 : vector<1024x1xf32> to vector<1024x2048xf32>
    %le3A_70 = arith.cmpf ole, %add3A_66, %le3A_69 : vector<1024x2048xf32>
    %jit3A_71 = arith.constant 8192 : i32
    %broadcast_in_dim3A_72 = vector.broadcast %jit3A_71 : i32 to vector<1024x2048xi32>
    %select_n3A_73 = arith.select %le3A_70, %iota3A_67, %broadcast_in_dim3A_72 : vector<1024x2048xi1>, vector<1024x2048xi32>
    %reduce_min3A_74 = arith.constant dense<2147483647> : vector<1024xi32>
    %reduce_min3A_75 = vector.multi_reduction <minsi>, %select_n3A_73, %reduce_min3A_74 [1] : vector<1024x2048xi32> to vector<1024xi32>
    %add3A_76 = arith.constant 4096 : i32
    %add3A_77 = vector.broadcast %add3A_76 : i32 to vector<1024xi32>
    %add3A_78 = arith.addi %reduce_min3A_75, %add3A_77 : vector<1024xi32>
    %min3A_79 = arith.minsi %min3A, %add3A_78 : vector<1024xi32>
    %get3A_80 = arith.constant 0 : index
    %get3A_81 = arith.constant 0 : index
    %get3A_82 = vector.load %arg4[%get3A_80, %get3A_81] : memref<1024x256xf32, #tpu.memory_space<vmem>>, vector<1024x256xf32>
    %get3A_83 = arith.constant 6144 : index
    %get3A_84 = arith.constant 0 : index
    %get3A_85 = vector.load %arg5[%get3A_83, %get3A_84] : memref<8192x256xf32, #tpu.memory_space<vmem>>, vector<2048x256xf32>
    %dot_general3A_86 = arith.constant dense<0.000000e+00> : vector<1024x2048xf32>
    %dot_general3A_87 = tpu.matmul %get3A_82, %get3A_85, %dot_general3A_86 {dimension_numbers = #tpu.dot_dimension_numbers<[1], [1], [0], [0], [0, 0, 1, 0], [], []>, transpose_lhs_hint = false} : vector<1024x256xf32>, vector<2048x256xf32>, vector<1024x2048xf32> -> vector<1024x2048xf32>
    %broadcast_in_dim3A_88 = vector.shape_cast %get3A_0 : vector<1024xf32> to vector<1024x1xf32>
    %get3A_89 = arith.constant 6144 : index
    %get3A_90 = vector.load %arg2[%get3A_89] : memref<8192xf32, #tpu.memory_space<vmem>>, vector<2048xf32>
    %broadcast_in_dim3A_91 = vector.shape_cast %get3A_90 : vector<2048xf32> to vector<1x2048xf32>
    %add3A_92 = vector.broadcast %broadcast_in_dim3A_88 : vector<1024x1xf32> to vector<1024x2048xf32>
    %add3A_93 = vector.broadcast %broadcast_in_dim3A_91 : vector<1x2048xf32> to vector<1024x2048xf32>
    %add3A_94 = arith.addf %add3A_92, %add3A_93 : vector<1024x2048xf32>
    %add3A_95 = arith.addf %add3A_94, %dot_general3A_87 : vector<1024x2048xf32>
    %iota3A_96 = tpu.iota {dimensions = array<i32: 1>} : vector<1024x2048xi32>
    %broadcast_in_dim3A_97 = vector.shape_cast %get3A_2 : vector<1024xf32> to vector<1024x1xf32>
    %le3A_98 = vector.broadcast %broadcast_in_dim3A_97 : vector<1024x1xf32> to vector<1024x2048xf32>
    %le3A_99 = arith.cmpf ole, %add3A_95, %le3A_98 : vector<1024x2048xf32>
    %jit3A_100 = arith.constant 8192 : i32
    %broadcast_in_dim3A_101 = vector.broadcast %jit3A_100 : i32 to vector<1024x2048xi32>
    %select_n3A_102 = arith.select %le3A_99, %iota3A_96, %broadcast_in_dim3A_101 : vector<1024x2048xi1>, vector<1024x2048xi32>
    %reduce_min3A_103 = arith.constant dense<2147483647> : vector<1024xi32>
    %reduce_min3A_104 = vector.multi_reduction <minsi>, %select_n3A_102, %reduce_min3A_103 [1] : vector<1024x2048xi32> to vector<1024xi32>
    %add3A_105 = arith.constant 6144 : i32
    %add3A_106 = vector.broadcast %add3A_105 : i32 to vector<1024xi32>
    %add3A_107 = arith.addi %reduce_min3A_104, %add3A_106 : vector<1024xi32>
    %min3A_108 = arith.minsi %min3A_79, %add3A_107 : vector<1024xi32>
    %swap3A = arith.constant 0 : index
    %swap3A_109 = arith.constant 0 : index
    %swap3A_110 = arith.constant 0 : index
    %swap3A_111 = vector.load %arg6[%swap3A, %swap3A_109, %swap3A_110] : memref<1x1x1024xi32, #tpu.memory_space<vmem>>, vector<1x1x1024xi32>
    %swap3A_112 = vector.shape_cast %swap3A_111 : vector<1x1x1024xi32> to vector<1024xi32>
    %swap3A_113 = vector.shape_cast %min3A_108 : vector<1024xi32> to vector<1x1x1024xi32>
    tpu.vector_store %arg6[%swap3A, %swap3A_109, %swap3A_110], %swap3A_113 {strides = array<i32>} : memref<1x1x1024xi32, #tpu.memory_space<vmem>>, vector<1x1x1024xi32>,
    return
  }
  func.func @transform_0(%arg0: i32) -> i32 {
    %c0_i32 = arith.constant 0 : i32
    return %arg0 : i32
  }
  func.func @transform_1(%arg0: i32) -> i32 {
    %c0_i32 = arith.constant 0 : i32
    %c0_i32_0 = arith.constant 0 : i32
    return %c0_i32 : i32
  }
  func.func @transform_2(%arg0: i32) -> i32 {
    %c0_i32 = arith.constant 0 : i32
    return %arg0 : i32
  }
  func.func @transform_3(%arg0: i32) -> (i32, i32) {
    %c0_i32 = arith.constant 0 : i32
    %c0_i32_0 = arith.constant 0 : i32
    return %arg0, %c0_i32 : i32, i32
  }
  func.func @transform_4(%arg0: i32) -> (i32, i32) {
    %c0_i32 = arith.constant 0 : i32
    %c0_i32_0 = arith.constant 0 : i32
    %c0_i32_1 = arith.constant 0 : i32
    return %c0_i32, %c0_i32_0 : i32, i32
  }
  func.func @transform_5(%arg0: i32) -> (i32, i32, i32) {
    %c0_i32 = arith.constant 0 : i32
    %c0_i32_0 = arith.constant 0 : i32
    %c0_i32_1 = arith.constant 0 : i32
    return %arg0, %c0_i32, %c0_i32_0 : i32, i32, i32
  }
}

</mosaic_0001>

<sc_bundles>
// kernel: kernel.5.cloned.1.call-start
scs
__scs_entry_jumppad:
0x0: {  	(pc) =	sbr.rel $0x88, $3  }
0x1: {  	(tag) =	ssettag $0x0;
	lr =	simm.s32 $0x1  }
0x2: {  	[smem:$0x3F9F] =	sst lr;
	_ =	strace $0xD0000000  }
0x3: {  	_ = 	snop  }
0x4: {  	_ = 	snop  }
0x5: {  	_ = 	snop  }
0x6: {  	_ = 	snop  }
0x7: {  	_ = 	snop  }
__scs_overlays_trampoline_lowered:
0x8: {  	[smem:$0x3FAE] =	sst s0  }
0x9: {  	[smem:$0x3FAF] =	sst s1  }
0xa: {  	[smem:$0x3FB0] =	sst s2  }
0xb: {  	[smem:$0x3FB1] =	sst s3  }
0xc: {  	[smem:$0x3FB2] =	sst s4  }
0xd: {  	[smem:$0x3FB3] =	sst s5  }
0xe: {  	[smem:$0x3FB4] =	sst s6  }
0xf: {  	[smem:$0x3FB5] =	sst s7  }
0x10: {  	[smem:$0x3FB6] =	sst s8  }
0x11: {  	[smem:$0x3FB7] =	sst s9;
	s0 =	simm.s32 @!p0 $0x0  }
0x12: {  	s1 =	sld [smem:$0x3F9D];
	s0 =	simm.s32 @p0 $0x1  }
0x13: {  	[smem:$0x3FB8] =	sst s0;
	s0 =	simm.s32 @!p1 $0x0  }
0x14: {  	s2 =	sld [smem:$0x3F9C];
	s0 =	simm.s32 @p1 $0x1  }
0x15: {  	[smem:$0x3FB9] =	sst s0;
	s0 =	simm.s32 @!p2 $0x0  }
0x16: {  	s3 =	sld [smem:$0x3FDB];
	s0 =	simm.s32 @p2 $0x1  }
0x17: {  	s4 =	simm.s32 $0x1BF5;
	[smem:$0x3FBB] =	sst s0  }
0x18: {  	s0 =	sld [smem:$0x3F9E];
	_ =	swait.ge [sflag:s4], $0x0  }
0x19: {  	s7 =	sld [smem:$0x3F9F]  }
0x1a: {  	s8 =	sadd.s32 $0xFFFFE003, lr  }
0x1b: {  	s9 =	sadd.s32 $0xFFFFFEF7, lr;
	s5 =	simm.s32 $0xFFFFFFFF;
	p2 =	slt.u32 s8, $0xFFFFF086  }
0x1c: {  	p1 =	slt.u32 s9, $0xF7A;
	s5 =	simm.s32 @!p2 $0x0  }
0x1d: {  	s5 =	simm.s32 @p1 $0x1;
	p0 =	seq.s32 s7, s2  }
0x1e: {  	s7 =	smul.u32 @!p0 $0xF7A, s2;
	p2 =	seq.s32 @!p0 s5, $0x0  }
0x1f: {  	s9 =	smul.u32 $0xF7A, s1;
	s8 =	simm.s32 @!p0 $0x1BF5;
	p2 =	por !p2, p0  }
0x20: {  	[sflag:s8] =	ssyncset.s32 @!p0 $0xFFFFF086;
	s6 =	sadd.s32 @!p0 s3, s7;
	s7 =	simm.s32 @!p0 $0x108  }
0x21: {  	s3 =	sadd.s32 s3, s9;
	s6 =	sadd.s32 @!p0 $0x88, s6;
	s7 =	simm.s32 @p2 $0x1082  }
0x22: {  	[simem:s7], [sflag:s8] =	dma.local @!p0 [hbm:s6], $0xF7A  }
0x23: {  	s9 =	sor.u32 $0xD0000000, s2;
	s6 =	simm.s32 $0x108;
	_ =	swait.ge @!p0 [sflag:s8], $0x0  }
0x24: {  	s3 =	sadd.s32 $0x88, s3;
	s6 =	simm.s32 @!p1 $0x1082;
	[sflag:s4] =	ssyncset.s32 $0xFFFFF086  }
0x25: {  	[simem:s6], [sflag:s4] =	dma.local [hbm:s3], $0xF7A  }
0x26: {  	[smem:$0x3F9F] =	sst s1;
	(tag) =	ssettag s2;
	_ =	strace s9  }
0x27: {  	s1 =	sld [smem:$0x3FAF]  }
0x28: {  	s2 =	sld [smem:$0x3FB0]  }
0x29: {  	s4 =	sld [smem:$0x3FB2]  }
0x2a: {  	p0 =	seq.s32 s5, $0x0;
	s5 =	sld [smem:$0x3FB3]  }
0x2b: {  	s6 =	sld [smem:$0x3FB4]  }
0x2c: {  	s7 =	sld [smem:$0x3FB5]  }
0x2d: {  	s3 =	simm.s32 $0x108;
	s8 =	sld [smem:$0x3FB6]  }
0x2e: {  	s3 =	simm.s32 @!p0 $0x1082;
	s9 =	sld [smem:$0x3FB7]  }
0x2f: {  	lr =	sadd.s32 s0, s3;
	s0 =	sld [smem:$0x3FAE]  }
0x30: {  	s3 =	sld [smem:$0x3FB1]  }
0x31: {  	[smem:$0x3FBA] =	sst s10  }
0x32: {  	s10 =	sld [smem:$0x3FB8];
	_ =	sdelay $0x3  }
0x33: {  	p0 =	seq.s32 s10, $0x1;
	s10 =	sld [smem:$0x3FBA];
	_ =	sdelay $0x3  }
0x34: {  	[smem:$0x3FBA] =	sst s10  }
0x35: {  	s10 =	sld [smem:$0x3FB9];
	_ =	sdelay $0x3  }
0x36: {  	p1 =	seq.s32 s10, $0x1;
	s10 =	sld [smem:$0x3FBA];
	_ =	sdelay $0x3  }
0x37: {  	[smem:$0x3FBA] =	sst s10  }
0x38: {  	s10 =	sld [smem:$0x3FBB]  }
0x39: {  	_ = 	snop;
	(pc) =	sbr.ind lr, $3  }
0x3a: {  	_ = 	snop  }
0x3b: {  	_ = 	snop  }
0x3c: {  	p2 =	seq.s32 s10, $0x1;
	s10 =	sld [smem:$0x3FBA]  }
0x3d: {  	_ =	shalt  }
0x3e: {  	_ =	shalt  }
0x3f: {  	_ =	shalt  }
0x40: {  	_ =	shalt  }
0x41: {  	_ =	shalt  }
0x42: {  	_ =	shalt  }
0x43: {  	_ =	shalt  }
0x44: {  	_ =	shalt  }
0x45: {  	_ =	shalt  }
0x46: {  	_ =	shalt  }
0x47: {  	_ =	shalt  }
0x48: {  	_ =	shalt  }
0x49: {  	_ =	shalt  }
0x4a: {  	_ =	shalt  }
0x4b: {  	_ =	shalt  }
0x4c: {  	_ =	shalt  }
0x4d: {  	_ =	shalt  }
0x4e: {  	_ =	shalt  }
0x4f: {  	_ =	shalt  }
0x50: {  	_ =	shalt  }
0x51: {  	_ =	shalt  }
0x52: {  	_ =	shalt  }
0x53: {  	_ =	shalt  }
0x54: {  	_ =	shalt  }
0x55: {  	_ =	shalt  }
0x56: {  	_ =	shalt  }
0x57: {  	_ =	shalt  }
0x58: {  	_ =	shalt  }
0x59: {  	_ =	shalt  }
0x5a: {  	_ =	shalt  }
0x5b: {  	_ =	shalt  }
0x5c: {  	_ =	shalt  }
0x5d: {  	_ =	shalt  }
0x5e: {  	_ =	shalt  }
0x5f: {  	_ =	shalt  }
0x60: {  	_ =	shalt  }
0x61: {  	_ =	shalt  }
0x62: {  	_ =	shalt  }
0x63: {  	_ =	shalt  }
0x64: {  	_ =	shalt  }
0x65: {  	_ =	shalt  }
0x66: {  	_ =	shalt  }
0x67: {  	_ =	shalt  }
0x68: {  	_ =	shalt  }
0x69: {  	_ =	shalt  }
0x6a: {  	_ =	shalt  }
0x6b: {  	_ =	shalt  }
0x6c: {  	_ =	shalt  }
0x6d: {  	_ =	shalt  }
0x6e: {  	_ =	shalt  }
0x6f: {  	_ =	shalt  }
0x70: {  	_ =	shalt  }
0x71: {  	_ =	shalt  }
0x72: {  	_ =	shalt  }
0x73: {  	_ =	shalt  }
0x74: {  	_ =	shalt  }
0x75: {  	_ =	shalt  }
0x76: {  	_ =	shalt  }
0x77: {  	_ =	shalt  }
0x78: {  	_ =	shalt  }
0x79: {  	_ =	shalt  }
0x7a: {  	_ =	shalt  }
0x7b: {  	_ =	shalt  }
0x7c: {  	_ =	shalt  }
0x7d: {  	_ =	shalt  }
0x7e: {  	_ =	shalt  }
0x7f: {  	_ =	shalt  }
0x80: {  	_ =	shalt  }
0x81: {  	_ =	shalt  }
0x82: {  	_ =	shalt  }
0x83: {  	_ =	shalt  }
0x84: {  	_ =	shalt  }
0x85: {  	_ =	shalt  }
0x86: {  	_ =	shalt  }
0x87: {  	_ =	shalt  }
.Lfunc_end0:
.L_simem_size_0:
called_computation_lowered:
.L_overlay_start_0:
0x88: {  	s2 =	sld [smem:$0x3FD9]  }
0x89: {  	s3 =	sld [smem:$0x3FFE];
	_ =	sdelay $0x1  }
0x8a: {  	s1 =	srdreg.scid  }
0x8b: {  	s0 =	sand.u32 $0x1, s1  }
0x8c: {  	s14 =	sshll.u32 s0, $0xA;
	s2 =	sadd.s32 s3, s2  }
0x8d: {  	s2 =	sadd.s32 s2, s14  }
0x8e: {  	[smem:$0x3FC6] =	sst s2  }
0x8f: {  	_ = 	snop  }
0x90: {  	s2 =	sld [smem:$0x3FD0];
	_ =	sdelay $0x2  }
0x91: {  	s4 =	simm.s32 $0xA;
	s5 =	simm.s32 $0x10;
	s15 =	sld [smem:$0x3FC8]  }
0x92: {  	[smem:s5], [sflag:s4] =	dma.local [hbm:s2], $0x1  }
0x93: {  	_ =	swait.eq [sflag:s4], $0x1  }
0x94: {  	[sflag:s4] =	ssyncset.done $0x0  }
0x95: {  	[sflag:s4] =	ssyncadd.s32 $0xFFFFFFFF  }
0x96: {  	s16 =	sld [smem:$0x11];
	(tm) =	ssettm $0x1  }
0x97: {  	s17 =	sld [smem:$0x3FFB];
	_ =	sdelay $0x3  }
0x98: {  	_ =	strace s17  }
0x99: {  	s4 =	sld [smem:$0x3FFC];
	_ =	sdelay $0x3  }
0x9a: {  	_ =	strace s4  }
0x9b: {  	s4 =	sld [smem:$0x3FFD];
	_ =	sdelay $0x3  }
0x9c: {  	_ =	strace s4  }
0x9d: {  	_ =	strace $0x8FFFFFFF  }
0x9e: {  	s18 =	sld [smem:$0x3FDB];
	_ =	sdelay $0x1  }
0x9f: {  	s19 =	simm.s32 $_scs_section_size  }
0xa0: {  	s6 =	simm.s32 $_size__tile_overlayer_lowered;
	s7 =	simm.s32 $_tile_overlayer_lowered  }
0xa1: {  	s22 =	simm.s32 $0x1BFF;
	s21 =	sshll.u32 s7, $0x1;
	s4 =	sadd.s32 s19, s18  }
0xa2: {  	s8 =	simm.s32 $0x0;
	s20 =	sshll.u32 s6, $0x1;
	s6 =	sadd.s32 s21, s4  }
0xa3: {  	[timem:s8], [sflag:s22] =	dma.local [hbm:s6], s20  }
0xa4: {  	_ =	swait.ge [sflag:s22], s20  }
0xa5: {  	s5 =	ssub.s32 $0x0, s20;
	[sflag:s22] =	ssyncset.done $0x0  }
0xa6: {  	[sflag:s22] =	ssyncadd.s32 s5;
	_ =	sdelay $0x1  }
0xa7: {  	s23 =	simm.s32 $0x1B8B  }
0xa8: {  	_ =	swait.ge [sflag:s23], $0x1  }
0xa9: {  	[sflag:s23] =	ssyncset.done $0x0  }
0xaa: {  	s25 =	simm.s32 $0x1B8E;
	s24 =	sld [smem:$0x3FFE];
	[sflag:s23] =	ssyncadd.s32 $0xFFFFFFFF  }
0xab: {  	s26 =	simm.s32 $execute0_lowered;
	[smem:$0x3FD2] =	sst s25  }
0xac: {  	s6 =	sshll.u32 s26, $0x1;
	_ =	strace $0x80000046;
	[dreg:$0x1] =	wrdreg $0xFFFFFFFF  }
0xad: {  	s28 =	simm.s32 $_size_execute0_lowered;
	s4 =	sadd.s32 s4, s6;
	[dreg:$0x0] =	wrdreg $0x0  }
0xae: {  	s6 =	sshll.u32 s28, $0x1;
	[dreg:$0x2] =	wrdreg s4  }
0xaf: {  	[dreg:$0x3] =	wrdreg s6  }
0xb0: {  	[dreg:$0x4] =	wrdreg $0xC0  }
0xb1: {  	_ =	task [dreg:s8], $0x5FFFF  }
0xb2: {  	[dreg:$0x1] =	wrdreg $0xFFFFFFFF  }
0xb3: {  	[dreg:$0x0] =	wrdreg $0x60  }
0xb4: {  	[dreg:$0x2] =	wrdreg s15  }
0xb5: {  	[dreg:$0x3] =	wrdreg s24  }
0xb6: {  	[dreg:$0x4] =	wrdreg s16  }
0xb7: {  	[dreg:$0x5] =	wrdreg $0x9  }
0xb8: {  	_ =	task.clear_ibuf [dreg:s8], $0x6FFFF;
	_ =	strace $0x90000046  }
0xb9: {  	s29 =	simm.s32 $0x9;
	_ =	strace $0x80000048  }
0xba: {  	_ =	swait.ge [sflag:s29], $0x1  }
0xbb: {  	[sflag:s29] =	ssyncadd.s32 $0xFFFFFFFF  }
0xbc: {  	_ =	strace $0x90000048  }
0xbd: {  	_ =	sfence  }
0xbe: {  	s30 =	sld [smem:$0x0];
	_ =	sdelay $0x2  }
0xbf: {  	s31 =	sshll.u32 s1, $0xD;
	s1 =	sshrl.u32 s1, $0x2  }
0xc0: {  	s3 =	sand.u32 $0x4000, s31;
	s1 =	sadd.s32 s1, s30  }
0xc1: {  	s0 =	sor.u32 s3, s0;
	s1 =	sshll.u32 s1, $0x11  }
0xc2: {  	s0 =	sor.u32 s1, s0  }
0xc3: {  	s0 =	sadd.s32 $0x8F2B, s0  }
0xc4: {  	[sflag:s0] =	ssyncadd.remote.s32 $0x1  }
0xc5: {  	_ =	sfence.sel $0xFFFF  }
0xc6: {  	[dreg:$0x0] =	wrdreg $0xFFFFFFFF;
	(pc) =	sbr.abs _section_cstart, $3  }
0xc7: {  	[dreg:$0x1] =	wrdreg $0xFFFFFFFF  }
0xc8: {  	_ =	task.clear_ibuf [dreg:s8], $0x2FFFF;
	_ =	strace $0x9FFFFFFF  }
0xc9: {  	(tm) =	ssettm $0x7FFFFFFF  }
tec
execute0_lowered:
.L_overlay_start_1:
0x0: {  	(tag) =	ssettag $0x1  }
0x1: {  	s1 =	rddreg [dreg:$0x0]  }
0x2: {  	s0 =	srdreg.scid;
	s3 =	stileid.u32  }
0x3: {  	s2 =	rddreg [dreg:$0x1];
	s0 =	sand.u32 $0x1, s0;
	s3 =	sshll.u32 s3, $0x1  }
0x4: {  	s4 =	rddreg [dreg:$0x2];
	s5 =	sor.u32 s0, s3;
	s3 =	simm.s32 $0x0  }
0x5: {  	s25 =	simm.s32 $0x100;
	[smem:$0x7FF] =	sst s3  }
0x6: {  	s26 =	simm.s32 $0xCA00;
	_ =	strace $0x80000047;
	[dreg:$0xa] =	wrdreg s25  }
0x7: {  	s8 =	simm.s32 $0xEA00;
	[dreg:$0xb] =	wrdreg s26  }
0x8: {  	s9 =	simm.s32 $0xF200;
	[dreg:$0xf] =	wrdreg s8  }
0x9: {  	s10 =	simm.s32 $0xFA00;
	[dreg:$0x10] =	wrdreg s9  }
0xa: {  	s11 =	simm.s32 $0x10200;
	[dreg:$0x11] =	wrdreg s10  }
0xb: {  	s12 =	simm.s32 $0x10A00;
	[dreg:$0x12] =	wrdreg s11  }
0xc: {  	s13 =	simm.s32 $0x11200;
	s14 =	simm.s32 $0x11A00;
	[dreg:$0x13] =	wrdreg s12  }
0xd: {  	s15 =	simm.s32 $0x12200;
	s16 =	simm.s32 $0x12A00;
	[dreg:$0x14] =	wrdreg s13  }
0xe: {  	s17 =	simm.s32 $0x13200;
	s18 =	simm.s32 $0x13A00;
	[dreg:$0x15] =	wrdreg s14  }
0xf: {  	s31 =	simm.s32 $0x1;
	s28 =	simm.s32 $0x8A00;
	[dreg:$0x16] =	wrdreg s15  }
0x10: {  	s29 =	simm.s32 $0x9200;
	s30 =	simm.s32 $0x9A00;
	[dreg:$0x17] =	wrdreg s16  }
0x11: {  	s2 =	sadd.s32 $0xE00, s2;
	s6 =	smul.u32 $0x240, s5;
	[dreg:$0x18] =	wrdreg s17  }
0x12: {  	s0 =	ssub.s32 $0x2, s0;
	s5 =	smul.u32 $0x4800, s5;
	[dreg:$0x19] =	wrdreg s18  }
0x13: {  	s25 =	simm.s32 $0x17200;
	s26 =	simm.s32 $0x17A00;
	s11 =	simm.s32 $0xA00  }
0x14: {  	s12 =	simm.s32 $0x1200;
	s13 =	simm.s32 $0x1A00;
	s14 =	simm.s32 $0x2200  }
0x15: {  	s15 =	simm.s32 $0x2A00;
	s16 =	simm.s32 $0x3200;
	s7 =	sshrl.u32 s6, $0x3  }
0x16: {  	s5 =	sadd.s32 s4, s5;
	s19 =	sadd.s32 $0xC0, s6;
	[smem:$0x7FC] =	sst s25  }
0x17: {  	s6 =	sadd.s32 $0x180, s6;
	[smem:$0x7FD] =	sst s26;
	s7 =	sadd.s32 s2, s7  }
0x18: {  	[dreg:$0x5] =	wrdreg s5;
	s20 =	sshrl.u32 s19, $0x3;
	s22 =	sshrl.u32 s6, $0x3  }
0x19: {  	s23 =	sshll.u32 s6, $0x5;
	s6 =	simm.s32 $0xDA00;
	[dreg:$0x4] =	wrdreg s7  }
0x1a: {  	s17 =	simm.s32 $0x3A00;
	s5 =	sadd.s32 s2, s20;
	[dreg:$0xd] =	wrdreg s6  }
0x1b: {  	s18 =	simm.s32 $0x4200;
	s2 =	sadd.s32 s2, s22;
	[dreg:$0x6] =	wrdreg s5  }
0x1c: {  	s25 =	simm.s32 $0x7A00;
	s24 =	sadd.s32 s4, s23;
	[dreg:$0x8] =	wrdreg s2  }
0x1d: {  	s7 =	sshll.u32 s19, $0x5;
	s19 =	simm.s32 $0x14200;
	[dreg:$0x9] =	wrdreg s24  }
0x1e: {  	s26 =	simm.s32 $0x8200;
	s20 =	simm.s32 $0x14A00;
	[dreg:$0x1a] =	wrdreg s19  }
0x1f: {  	s22 =	simm.s32 $0x15A00;
	s23 =	simm.s32 $0x16200;
	[dreg:$0x1b] =	wrdreg s20  }
0x20: {  	s21 =	sadd.s32 s4, s7;
	s4 =	simm.s32 $0xD200;
	[dreg:$0x1d] =	wrdreg s22  }
0x21: {  	s5 =	sshrl.u32 s0, $0x1;
	s7 =	simm.s32 $0xE200;
	[dreg:$0x1e] =	wrdreg s23  }
0x22: {  	s24 =	simm.s32 $0x16A00;
	s19 =	simm.s32 $0x4A00;
	[dreg:$0x7] =	wrdreg s21  }
0x23: {  	s20 =	simm.s32 $0x5200;
	s22 =	simm.s32 $0x6200;
	[dreg:$0xc] =	wrdreg s4  }
0x24: {  	s23 =	simm.s32 $0x6A00;
	s0 =	ssub.s32 s0, s5;
	[dreg:$0xe] =	wrdreg s7  }
0x25: {  	v2 =	vlaneseq.u32;
	s5 =	simm.s32 $0x4;
	s21 =	simm.s32 $0x15200;
	[dreg:$0x1f] =	wrdreg s24  }
0x26: {  	vm0 =	vmmov $0xffff;
	v1 =	vshrl.u32 v2, $0x3;
	s24 =	simm.s32 $0x7200;
	s7 =	simm.s32 $0xAA00;
	s4 =	smax.u32 s0, $0x1  }
0x27: {  	v0 =	vand.u32 $0x7, v2;
	v2 =	vor.u32 $0x8, v2;
	v1 =	vmul.u32 $0x8, v1;
	[dreg:$0x1c] =	wrdreg s21;
	s0 =	simm.s32 $0x2;
	s21 =	simm.s32 $0x5A00  }
.LBB2_1:
0x28: {  	s8 =	rddreg [dreg:$0x4]  }
0x29: {  	[tilespmem:s3], [sflag:$0x4] =	stream.linear.gather [hbm4b:s8+s3], $0xC0, $0x38;
	[tilespmem:$0x18200] =	vst v63  }
0x2a: {  	_ =	swait.ge [sflag:s5], $0xC0  }
0x2b: {  	[sflag:s5] =	ssyncset.done $0x0  }
0x2c: {  	[sflag:s5] =	ssyncadd.s32 $0xFFFFFF40  }
0x2d: {  	v3 =	vld [tilespmem:$0x0];
	_ =	sdelay $0x4  }
0x2e: {  	v4 =	vshll.u32 v3, $0x1  }
0x2f: {  	v3 =	vand.u32 $0x7, v3;
	v4 =	vand.u32 $0xFFFFFFF0, v4  }
0x30: {  	v3 =	vor.u32 v3, v4  }
0x31: {  	v4 =	vperm.xlane v3, v0;
	_ =	sdelay $0x1  }
0x32: {  	v3 =	vperm.xlane v3, v2;
	v4 =	vadd.s32 v1, v4;
	_ =	sdelay $0x1  }
0x33: {  	v3 =	vadd.s32 v1, v3;
	_ =	sdelay $0x1  }
0x34: {  	s2 =	simm.s32 $0x200  }
0x35: {  	[tilespmem:s2], [sflag:$0x1] =	stream.indirect_vreg.gather [hbm4b:s1+s3], $0x80, v4, vm0, $0xb8;
	[tilespmem:$0x18200] =	vst v63  }
0x36: {  	_ = 	snop  }
0x37: {  	[tilespmem:s11], [sflag:$0x1] =	stream.indirect_vreg.gather [hbm4b:s1+s3], $0x80, v3, vm0, $0xb8;
	[tilespmem:$0x18200] =	vst v63  }
0x38: {  	v3 =	vld [tilespmem:$0x10];
	_ =	sdelay $0x4  }
0x39: {  	v29 =	vshll.u32 v3, $0x1  }
0x3a: {  	v3 =	vand.u32 $0x7, v3;
	v4 =	vand.u32 $0xFFFFFFF0, v29  }
0x3b: {  	v3 =	vor.u32 v3, v4  }
0x3c: {  	v4 =	vperm.xlane v3, v0;
	_ =	sdelay $0x1  }
0x3d: {  	v3 =	vperm.xlane v3, v2;
	v4 =	vadd.s32 v1, v4;
	_ =	sdelay $0x1  }
0x3e: {  	v3 =	vadd.s32 v1, v3;
	_ =	sdelay $0x2  }
0x3f: {  	[tilespmem:s12], [sflag:$0x1] =	stream.indirect_vreg.gather [hbm4b:s1+s3], $0x80, v4, vm0, $0xb8;
	[tilespmem:$0x18200] =	vst v63  }
0x40: {  	_ = 	snop  }
0x41: {  	[tilespmem:s13], [sflag:$0x1] =	stream.indirect_vreg.gather [hbm4b:s1+s3], $0x80, v3, vm0, $0xb8;
	[tilespmem:$0x18200] =	vst v63  }
0x42: {  	v3 =	vld [tilespmem:$0x20];
	_ =	sdelay $0x4  }
0x43: {  	v30 =	vshll.u32 v3, $0x1  }
0x44: {  	v3 =	vand.u32 $0x7, v3;
	v4 =	vand.u32 $0xFFFFFFF0, v30  }
0x45: {  	v3 =	vor.u32 v3, v4  }
0x46: {  	v4 =	vperm.xlane v3, v0;
	_ =	sdelay $0x1  }
0x47: {  	v3 =	vperm.xlane v3, v2;
	v4 =	vadd.s32 v1, v4;
	_ =	sdelay $0x1  }
0x48: {  	v3 =	vadd.s32 v1, v3;
	_ =	sdelay $0x2  }
0x49: {  	[tilespmem:s14], [sflag:$0x1] =	stream.indirect_vreg.gather [hbm4b:s1+s3], $0x80, v4, vm0, $0xb8;
	[tilespmem:$0x18200] =	vst v63  }
0x4a: {  	_ = 	snop  }
0x4b: {  	[tilespmem:s15], [sflag:$0x1] =	stream.indirect_vreg.gather [hbm4b:s1+s3], $0x80, v3, vm0, $0xb8;
	[tilespmem:$0x18200] =	vst v63  }
0x4c: {  	v3 =	vld [tilespmem:$0x30];
	_ =	sdelay $0x4  }
0x4d: {  	v31 =	vshll.u32 v3, $0x1  }
0x4e: {  	v3 =	vand.u32 $0x7, v3;
	v4 =	vand.u32 $0xFFFFFFF0, v31  }
0x4f: {  	v3 =	vor.u32 v3, v4  }
0x50: {  	v4 =	vperm.xlane v3, v0;
	_ =	sdelay $0x1  }
0x51: {  	v3 =	vperm.xlane v3, v2;
	v4 =	vadd.s32 v1, v4;
	_ =	sdelay $0x1  }
0x52: {  	v3 =	vadd.s32 v1, v3;
	_ =	sdelay $0x2  }
0x53: {  	[tilespmem:s16], [sflag:$0x1] =	stream.indirect_vreg.gather [hbm4b:s1+s3], $0x80, v4, vm0, $0xb8;
	[tilespmem:$0x18200] =	vst v63  }
0x54: {  	_ = 	snop  }
0x55: {  	[tilespmem:s17], [sflag:$0x1] =	stream.indirect_vreg.gather [hbm4b:s1+s3], $0x80, v3, vm0, $0xb8;
	[tilespmem:$0x18200] =	vst v63  }
0x56: {  	v3 =	vld [tilespmem:$0x40];
	_ =	sdelay $0x4  }
0x57: {  	v32 =	vshll.u32 v3, $0x1  }
0x58: {  	v3 =	vand.u32 $0x7, v3;
	v4 =	vand.u32 $0xFFFFFFF0, v32  }
0x59: {  	v3 =	vor.u32 v3, v4  }
0x5a: {  	v4 =	vperm.xlane v3, v0;
	_ =	sdelay $0x1  }
0x5b: {  	v3 =	vperm.xlane v3, v2;
	v4 =	vadd.s32 v1, v4;
	_ =	sdelay $0x1  }
0x5c: {  	v3 =	vadd.s32 v1, v3;
	_ =	sdelay $0x2  }
0x5d: {  	[tilespmem:s18], [sflag:$0x1] =	stream.indirect_vreg.gather [hbm4b:s1+s3], $0x80, v4, vm0, $0xb8;
	[tilespmem:$0x18200] =	vst v63  }
0x5e: {  	_ = 	snop  }
0x5f: {  	[tilespmem:s19], [sflag:$0x1] =	stream.indirect_vreg.gather [hbm4b:s1+s3], $0x80, v3, vm0, $0xb8;
	[tilespmem:$0x18200] =	vst v63  }
0x60: {  	v3 =	vld [tilespmem:$0x50];
	_ =	sdelay $0x4  }
0x61: {  	v33 =	vshll.u32 v3, $0x1  }
0x62: {  	v3 =	vand.u32 $0x7, v3;
	v4 =	vand.u32 $0xFFFFFFF0, v33  }
0x63: {  	v3 =	vor.u32 v3, v4  }
0x64: {  	v4 =	vperm.xlane v3, v0;
	_ =	sdelay $0x1  }
0x65: {  	v3 =	vperm.xlane v3, v2;
	v4 =	vadd.s32 v1, v4;
	_ =	sdelay $0x1  }
0x66: {  	v3 =	vadd.s32 v1, v3;
	_ =	sdelay $0x2  }
0x67: {  	[tilespmem:s20], [sflag:$0x1] =	stream.indirect_vreg.gather [hbm4b:s1+s3], $0x80, v4, vm0, $0xb8;
	[tilespmem:$0x18200] =	vst v63  }
0x68: {  	_ = 	snop  }
0x69: {  	[tilespmem:s21], [sflag:$0x1] =	stream.indirect_vreg.gather [hbm4b:s1+s3], $0x80, v3, vm0, $0xb8;
	[tilespmem:$0x18200] =	vst v63  }
0x6a: {  	v3 =	vld [tilespmem:$0x60];
	_ =	sdelay $0x4  }
0x6b: {  	v34 =	vshll.u32 v3, $0x1  }
0x6c: {  	v3 =	vand.u32 $0x7, v3;
	v4 =	vand.u32 $0xFFFFFFF0, v34  }
0x6d: {  	v3 =	vor.u32 v3, v4  }
0x6e: {  	v4 =	vperm.xlane v3, v0;
	_ =	sdelay $0x1  }
0x6f: {  	v3 =	vperm.xlane v3, v2;
	v4 =	vadd.s32 v1, v4;
	_ =	sdelay $0x1  }
0x70: {  	v3 =	vadd.s32 v1, v3;
	_ =	sdelay $0x2  }
0x71: {  	[tilespmem:s22], [sflag:$0x1] =	stream.indirect_vreg.gather [hbm4b:s1+s3], $0x80, v4, vm0, $0xb8;
	[tilespmem:$0x18200] =	vst v63  }
0x72: {  	_ = 	snop  }
0x73: {  	[tilespmem:s23], [sflag:$0x1] =	stream.indirect_vreg.gather [hbm4b:s1+s3], $0x80, v3, vm0, $0xb8;
	[tilespmem:$0x18200] =	vst v63  }
0x74: {  	v3 =	vld [tilespmem:$0x70];
	_ =	sdelay $0x4  }
0x75: {  	v35 =	vshll.u32 v3, $0x1  }
0x76: {  	v3 =	vand.u32 $0x7, v3;
	v4 =	vand.u32 $0xFFFFFFF0, v35  }
0x77: {  	v3 =	vor.u32 v3, v4  }
0x78: {  	v4 =	vperm.xlane v3, v0;
	_ =	sdelay $0x1  }
0x79: {  	v3 =	vperm.xlane v3, v2;
	v4 =	vadd.s32 v1, v4;
	_ =	sdelay $0x1  }
0x7a: {  	v3 =	vadd.s32 v1, v3;
	_ =	sdelay $0x2  }
0x7b: {  	[tilespmem:s24], [sflag:$0x1] =	stream.indirect_vreg.gather [hbm4b:s1+s3], $0x80, v4, vm0, $0xb8;
	[tilespmem:$0x18200] =	vst v63  }
0x7c: {  	_ = 	snop  }
0x7d: {  	[tilespmem:s25], [sflag:$0x1] =	stream.indirect_vreg.gather [hbm4b:s1+s3], $0x80, v3, vm0, $0xb8;
	[tilespmem:$0x18200] =	vst v63  }
0x7e: {  	v3 =	vld [tilespmem:$0x80];
	_ =	sdelay $0x4  }
0x7f: {  	v36 =	vshll.u32 v3, $0x1  }
0x80: {  	v3 =	vand.u32 $0x7, v3;
	v4 =	vand.u32 $0xFFFFFFF0, v36  }
0x81: {  	v3 =	vor.u32 v3, v4  }
0x82: {  	v4 =	vperm.xlane v3, v0;
	_ =	sdelay $0x1  }
0x83: {  	v3 =	vperm.xlane v3, v2;
	v4 =	vadd.s32 v1, v4;
	_ =	sdelay $0x1  }
0x84: {  	v3 =	vadd.s32 v1, v3;
	_ =	sdelay $0x2  }
0x85: {  	[tilespmem:s26], [sflag:$0x1] =	stream.indirect_vreg.gather [hbm4b:s1+s3], $0x80, v4, vm0, $0xb8;
	[tilespmem:$0x18200] =	vst v63  }
0x86: {  	_ = 	snop  }
0x87: {  	[tilespmem:s28], [sflag:$0x1] =	stream.indirect_vreg.gather [hbm4b:s1+s3], $0x80, v3, vm0, $0xb8;
	[tilespmem:$0x18200] =	vst v63  }
0x88: {  	v3 =	vld [tilespmem:$0x90];
	_ =	sdelay $0x4  }
0x89: {  	v37 =	vshll.u32 v3, $0x1  }
0x8a: {  	v3 =	vand.u32 $0x7, v3;
	v4 =	vand.u32 $0xFFFFFFF0, v37  }
0x8b: {  	v3 =	vor.u32 v3, v4  }
0x8c: {  	v4 =	vperm.xlane v3, v0;
	_ =	sdelay $0x1  }
0x8d: {  	v3 =	vperm.xlane v3, v2;
	v4 =	vadd.s32 v1, v4;
	_ =	sdelay $0x1  }
0x8e: {  	v3 =	vadd.s32 v1, v3;
	_ =	sdelay $0x2  }
0x8f: {  	[tilespmem:s29], [sflag:$0x1] =	stream.indirect_vreg.gather [hbm4b:s1+s3], $0x80, v4, vm0, $0xb8;
	[tilespmem:$0x18200] =	vst v63  }
0x90: {  	_ = 	snop  }
0x91: {  	[tilespmem:s30], [sflag:$0x1] =	stream.indirect_vreg.gather [hbm4b:s1+s3], $0x80, v3, vm0, $0xb8;
	[tilespmem:$0x18200] =	vst v63  }
0x92: {  	v3 =	vld [tilespmem:$0xA0];
	_ =	sdelay $0x4  }
0x93: {  	v38 =	vshll.u32 v3, $0x1  }
0x94: {  	v3 =	vand.u32 $0x7, v3;
	v4 =	vand.u32 $0xFFFFFFF0, v38  }
0x95: {  	v3 =	vor.u32 v3, v4  }
0x96: {  	v4 =	vperm.xlane v3, v0;
	_ =	sdelay $0x1  }
0x97: {  	v3 =	vperm.xlane v3, v2;
	v4 =	vadd.s32 v1, v4;
	_ =	sdelay $0x1  }
0x98: {  	v3 =	vadd.s32 v1, v3;
	_ =	sdelay $0x1  }
0x99: {  	s6 =	simm.s32 $0xA200  }
0x9a: {  	[tilespmem:s6], [sflag:$0x1] =	stream.indirect_vreg.gather [hbm4b:s1+s3], $0x80, v4, vm0, $0xb8;
	[tilespmem:$0x18200] =	vst v63  }
0x9b: {  	_ = 	snop  }
0x9c: {  	[tilespmem:s7], [sflag:$0x1] =	stream.indirect_vreg.gather [hbm4b:s1+s3], $0x80, v3, vm0, $0xb8;
	[tilespmem:$0x18200] =	vst v63  }
0x9d: {  	v3 =	vld [tilespmem:$0xB0];
	_ =	sdelay $0x4  }
0x9e: {  	v39 =	vshll.u32 v3, $0x1  }
0x9f: {  	v3 =	vand.u32 $0x7, v3;
	v4 =	vand.u32 $0xFFFFFFF0, v39  }
0xa0: {  	v3 =	vor.u32 v3, v4  }
0xa1: {  	v4 =	vperm.xlane v3, v0;
	_ =	sdelay $0x1  }
0xa2: {  	v3 =	vperm.xlane v3, v2;
	v4 =	vadd.s32 v1, v4;
	_ =	sdelay $0x1  }
0xa3: {  	v3 =	vadd.s32 v1, v3;
	_ =	sdelay $0x1  }
0xa4: {  	s6 =	simm.s32 $0xB200  }
0xa5: {  	[tilespmem:s6], [sflag:$0x1] =	stream.indirect_vreg.gather [hbm4b:s1+s3], $0x80, v4, vm0, $0xb8;
	[tilespmem:$0x18200] =	vst v63  }
0xa6: {  	s10 =	simm.s32 $0xBA00  }
0xa7: {  	[tilespmem:s10], [sflag:$0x1] =	stream.indirect_vreg.gather [hbm4b:s1+s3], $0x80, v3, vm0, $0xb8;
	[tilespmem:$0x18200] =	vst v63  }
0xa8: {  	_ =	swait.ge [sflag:s31], $0xC000  }
0xa9: {  	s8 =	rddreg [dreg:$0x5];
	[sflag:s31] =	ssyncset.done $0x0  }
0xaa: {  	s9 =	rddreg [dreg:$0x6];
	[sflag:s31] =	ssyncadd.s32 $0xFFFF4000  }
0xab: {  	[hbm4b:s8+s3] =	stream.linear.scatter [tilespmem:s2], [sflag:$0x2], $0xC000, $0x38;
	[tilespmem:$0x18200] =	vst v63  }
0xac: {  	s10 =	rddreg [dreg:$0xa]  }
0xad: {  	[tilespmem:s10], [sflag:$0x4] =	stream.linear.gather [hbm4b:s9+s3], $0xC0, $0x38;
	[tilespmem:$0x18200] =	vst v63  }
0xae: {  	_ =	swait.ge [sflag:s5], $0xC0  }
0xaf: {  	[sflag:s5] =	ssyncset.done $0x0  }
0xb0: {  	[sflag:s5] =	ssyncadd.s32 $0xFFFFFF40  }
0xb1: {  	v3 =	vld [tilespmem:$0x100];
	_ =	sdelay $0x4  }
0xb2: {  	v40 =	vshll.u32 v3, $0x1  }
0xb3: {  	v3 =	vand.u32 $0x7, v3;
	v4 =	vand.u32 $0xFFFFFFF0, v40  }
0xb4: {  	v3 =	vor.u32 v3, v4  }
0xb5: {  	v4 =	vperm.xlane v3, v0;
	_ =	sdelay $0x1  }
0xb6: {  	v3 =	vperm.xlane v3, v2;
	v4 =	vadd.s32 v1, v4;
	_ =	sdelay $0x1  }
0xb7: {  	v3 =	vadd.s32 v1, v3;
	_ =	sdelay $0x1  }
0xb8: {  	s10 =	simm.s32 $0xC200  }
0xb9: {  	[tilespmem:s10], [sflag:$0x1] =	stream.indirect_vreg.gather [hbm4b:s1+s3], $0x80, v4, vm0, $0xb8;
	[tilespmem:$0x18200] =	vst v63  }
0xba: {  	s9 =	rddreg [dreg:$0xb]  }
0xbb: {  	[tilespmem:s9], [sflag:$0x1] =	stream.indirect_vreg.gather [hbm4b:s1+s3], $0x80, v3, vm0, $0xb8;
	[tilespmem:$0x18200] =	vst v63  }
0xbc: {  	v3 =	vld [tilespmem:$0x110];
	_ =	sdelay $0x4  }
0xbd: {  	v41 =	vshll.u32 v3, $0x1  }
0xbe: {  	v3 =	vand.u32 $0x7, v3;
	v4 =	vand.u32 $0xFFFFFFF0, v41  }
0xbf: {  	v3 =	vor.u32 v3, v4  }
0xc0: {  	v4 =	vperm.xlane v3, v0;
	_ =	sdelay $0x1  }
0xc1: {  	v3 =	vperm.xlane v3, v2;
	v4 =	vadd.s32 v1, v4;
	_ =	sdelay $0x1  }
0xc2: {  	v3 =	vadd.s32 v1, v3;
	_ =	sdelay $0x1  }
0xc3: {  	s8 =	rddreg [dreg:$0xc]  }
0xc4: {  	[tilespmem:s8], [sflag:$0x1] =	stream.indirect_vreg.gather [hbm4b:s1+s3], $0x80, v4, vm0, $0xb8;
	[tilespmem:$0x18200] =	vst v63  }
0xc5: {  	s9 =	rddreg [dreg:$0xd]  }
0xc6: {  	[tilespmem:s9], [sflag:$0x1] =	stream.indirect_vreg.gather [hbm4b:s1+s3], $0x80, v3, vm0, $0xb8;
	[tilespmem:$0x18200] =	vst v63  }
0xc7: {  	v3 =	vld [tilespmem:$0x120];
	_ =	sdelay $0x4  }
0xc8: {  	v42 =	vshll.u32 v3, $0x1  }
0xc9: {  	v3 =	vand.u32 $0x7, v3;
	v4 =	vand.u32 $0xFFFFFFF0, v42  }
0xca: {  	v3 =	vor.u32 v3, v4  }
0xcb: {  	v4 =	vperm.xlane v3, v0;
	_ =	sdelay $0x1  }
0xcc: {  	v3 =	vperm.xlane v3, v2;
	v4 =	vadd.s32 v1, v4;
	_ =	sdelay $0x1  }
0xcd: {  	v3 =	vadd.s32 v1, v3;
	_ =	sdelay $0x1  }
0xce: {  	s8 =	rddreg [dreg:$0xe]  }
0xcf: {  	[tilespmem:s8], [sflag:$0x1] =	stream.indirect_vreg.gather [hbm4b:s1+s3], $0x80, v4, vm0, $0xb8;
	[tilespmem:$0x18200] =	vst v63  }
0xd0: {  	s9 =	rddreg [dreg:$0xf]  }
0xd1: {  	[tilespmem:s9], [sflag:$0x1] =	stream.indirect_vreg.gather [hbm4b:s1+s3], $0x80, v3, vm0, $0xb8;
	[tilespmem:$0x18200] =	vst v63  }
0xd2: {  	v3 =	vld [tilespmem:$0x130];
	_ =	sdelay $0x4  }
0xd3: {  	v43 =	vshll.u32 v3, $0x1  }
0xd4: {  	v3 =	vand.u32 $0x7, v3;
	v4 =	vand.u32 $0xFFFFFFF0, v43  }
0xd5: {  	v3 =	vor.u32 v3, v4  }
0xd6: {  	v4 =	vperm.xlane v3, v0;
	_ =	sdelay $0x1  }
0xd7: {  	v3 =	vperm.xlane v3, v2;
	v4 =	vadd.s32 v1, v4;
	_ =	sdelay $0x1  }
0xd8: {  	v3 =	vadd.s32 v1, v3;
	_ =	sdelay $0x1  }
0xd9: {  	s8 =	rddreg [dreg:$0x10]  }
0xda: {  	[tilespmem:s8], [sflag:$0x1] =	stream.indirect_vreg.gather [hbm4b:s1+s3], $0x80, v4, vm0, $0xb8;
	[tilespmem:$0x18200] =	vst v63  }
0xdb: {  	s9 =	rddreg [dreg:$0x11]  }
0xdc: {  	[tilespmem:s9], [sflag:$0x1] =	stream.indirect_vreg.gather [hbm4b:s1+s3], $0x80, v3, vm0, $0xb8;
	[tilespmem:$0x18200] =	vst v63  }
0xdd: {  	v3 =	vld [tilespmem:$0x140];
	_ =	sdelay $0x4  }
0xde: {  	v44 =	vshll.u32 v3, $0x1  }
0xdf: {  	v3 =	vand.u32 $0x7, v3;
	v4 =	vand.u32 $0xFFFFFFF0, v44  }
0xe0: {  	v3 =	vor.u32 v3, v4  }
0xe1: {  	v4 =	vperm.xlane v3, v0;
	_ =	sdelay $0x1  }
0xe2: {  	v3 =	vperm.xlane v3, v2;
	v4 =	vadd.s32 v1, v4;
	_ =	sdelay $0x1  }
0xe3: {  	v3 =	vadd.s32 v1, v3;
	_ =	sdelay $0x1  }
0xe4: {  	s8 =	rddreg [dreg:$0x12]  }
0xe5: {  	[tilespmem:s8], [sflag:$0x1] =	stream.indirect_vreg.gather [hbm4b:s1+s3], $0x80, v4, vm0, $0xb8;
	[tilespmem:$0x18200] =	vst v63  }
0xe6: {  	s9 =	rddreg [dreg:$0x13]  }
0xe7: {  	[tilespmem:s9], [sflag:$0x1] =	stream.indirect_vreg.gather [hbm4b:s1+s3], $0x80, v3, vm0, $0xb8;
	[tilespmem:$0x18200] =	vst v63  }
0xe8: {  	v3 =	vld [tilespmem:$0x150];
	_ =	sdelay $0x4  }
0xe9: {  	v45 =	vshll.u32 v3, $0x1  }
0xea: {  	v3 =	vand.u32 $0x7, v3;
	v4 =	vand.u32 $0xFFFFFFF0, v45  }
0xeb: {  	v3 =	vor.u32 v3, v4  }
0xec: {  	v4 =	vperm.xlane v3, v0;
	_ =	sdelay $0x1  }
0xed: {  	v3 =	vperm.xlane v3, v2;
	v4 =	vadd.s32 v1, v4;
	_ =	sdelay $0x1  }
0xee: {  	v3 =	vadd.s32 v1, v3;
	_ =	sdelay $0x1  }
0xef: {  	s8 =	rddreg [dreg:$0x14]  }
0xf0: {  	[tilespmem:s8], [sflag:$0x1] =	stream.indirect_vreg.gather [hbm4b:s1+s3], $0x80, v4, vm0, $0xb8;
	[tilespmem:$0x18200] =	vst v63  }
0xf1: {  	s9 =	rddreg [dreg:$0x15]  }
0xf2: {  	[tilespmem:s9], [sflag:$0x1] =	stream.indirect_vreg.gather [hbm4b:s1+s3], $0x80, v3, vm0, $0xb8;
	[tilespmem:$0x18200] =	vst v63  }
0xf3: {  	v3 =	vld [tilespmem:$0x160];
	_ =	sdelay $0x4  }
0xf4: {  	v46 =	vshll.u32 v3, $0x1  }
0xf5: {  	v3 =	vand.u32 $0x7, v3;
	v4 =	vand.u32 $0xFFFFFFF0, v46  }
0xf6: {  	v3 =	vor.u32 v3, v4  }
0xf7: {  	v4 =	vperm.xlane v3, v0;
	_ =	sdelay $0x1  }
0xf8: {  	v3 =	vperm.xlane v3, v2;
	v4 =	vadd.s32 v1, v4;
	_ =	sdelay $0x1  }
0xf9: {  	v3 =	vadd.s32 v1, v3;
	_ =	sdelay $0x1  }
0xfa: {  	s8 =	rddreg [dreg:$0x16]  }
0xfb: {  	[tilespmem:s8], [sflag:$0x1] =	stream.indirect_vreg.gather [hbm4b:s1+s3], $0x80, v4, vm0, $0xb8;
	[tilespmem:$0x18200] =	vst v63  }
0xfc: {  	s9 =	rddreg [dreg:$0x17]  }
0xfd: {  	[tilespmem:s9], [sflag:$0x1] =	stream.indirect_vreg.gather [hbm4b:s1+s3], $0x80, v3, vm0, $0xb8;
	[tilespmem:$0x18200] =	vst v63  }
0xfe: {  	v3 =	vld [tilespmem:$0x170];
	_ =	sdelay $0x4  }
0xff: {  	v47 =	vshll.u32 v3, $0x1  }
0x100: {  	v3 =	vand.u32 $0x7, v3;
	v4 =	vand.u32 $0xFFFFFFF0, v47  }
0x101: {  	v3 =	vor.u32 v3, v4  }
0x102: {  	v4 =	vperm.xlane v3, v0;
	_ =	sdelay $0x1  }
0x103: {  	v3 =	vperm.xlane v3, v2;
	v4 =	vadd.s32 v1, v4;
	_ =	sdelay $0x1  }
0x104: {  	v3 =	vadd.s32 v1, v3;
	_ =	sdelay $0x1  }
0x105: {  	s8 =	rddreg [dreg:$0x18]  }
0x106: {  	[tilespmem:s8], [sflag:$0x1] =	stream.indirect_vreg.gather [hbm4b:s1+s3], $0x80, v4, vm0, $0xb8;
	[tilespmem:$0x18200] =	vst v63  }
0x107: {  	s9 =	rddreg [dreg:$0x19]  }
0x108: {  	[tilespmem:s9], [sflag:$0x1] =	stream.indirect_vreg.gather [hbm4b:s1+s3], $0x80, v3, vm0, $0xb8;
	[tilespmem:$0x18200] =	vst v63  }
0x109: {  	v3 =	vld [tilespmem:$0x180];
	_ =	sdelay $0x4  }
0x10a: {  	v48 =	vshll.u32 v3, $0x1  }
0x10b: {  	v3 =	vand.u32 $0x7, v3;
	v4 =	vand.u32 $0xFFFFFFF0, v48  }
0x10c: {  	v3 =	vor.u32 v3, v4  }
0x10d: {  	v4 =	vperm.xlane v3, v0;
	_ =	sdelay $0x1  }
0x10e: {  	v3 =	vperm.xlane v3, v2;
	v4 =	vadd.s32 v1, v4;
	_ =	sdelay $0x1  }
0x10f: {  	v3 =	vadd.s32 v1, v3;
	_ =	sdelay $0x1  }
0x110: {  	s8 =	rddreg [dreg:$0x1a]  }
0x111: {  	[tilespmem:s8], [sflag:$0x1] =	stream.indirect_vreg.gather [hbm4b:s1+s3], $0x80, v4, vm0, $0xb8;
	[tilespmem:$0x18200] =	vst v63  }
0x112: {  	s9 =	rddreg [dreg:$0x1b]  }
0x113: {  	[tilespmem:s9], [sflag:$0x1] =	stream.indirect_vreg.gather [hbm4b:s1+s3], $0x80, v3, vm0, $0xb8;
	[tilespmem:$0x18200] =	vst v63  }
0x114: {  	v3 =	vld [tilespmem:$0x190];
	_ =	sdelay $0x4  }
0x115: {  	v49 =	vshll.u32 v3, $0x1  }
0x116: {  	v3 =	vand.u32 $0x7, v3;
	v4 =	vand.u32 $0xFFFFFFF0, v49  }
0x117: {  	v3 =	vor.u32 v3, v4  }
0x118: {  	v4 =	vperm.xlane v3, v0;
	_ =	sdelay $0x1  }
0x119: {  	v3 =	vperm.xlane v3, v2;
	v4 =	vadd.s32 v1, v4;
	_ =	sdelay $0x1  }
0x11a: {  	v3 =	vadd.s32 v1, v3;
	_ =	sdelay $0x1  }
0x11b: {  	s8 =	rddreg [dreg:$0x1c]  }
0x11c: {  	[tilespmem:s8], [sflag:$0x1] =	stream.indirect_vreg.gather [hbm4b:s1+s3], $0x80, v4, vm0, $0xb8;
	[tilespmem:$0x18200] =	vst v63  }
0x11d: {  	s9 =	rddreg [dreg:$0x1d]  }
0x11e: {  	[tilespmem:s9], [sflag:$0x1] =	stream.indirect_vreg.gather [hbm4b:s1+s3], $0x80, v3, vm0, $0xb8;
	[tilespmem:$0x18200] =	vst v63  }
0x11f: {  	v3 =	vld [tilespmem:$0x1A0];
	_ =	sdelay $0x4  }
0x120: {  	v50 =	vshll.u32 v3, $0x1  }
0x121: {  	v3 =	vand.u32 $0x7, v3;
	v4 =	vand.u32 $0xFFFFFFF0, v50  }
0x122: {  	v3 =	vor.u32 v3, v4  }
0x123: {  	v4 =	vperm.xlane v3, v0;
	_ =	sdelay $0x1  }
0x124: {  	v3 =	vperm.xlane v3, v2;
	v4 =	vadd.s32 v1, v4;
	_ =	sdelay $0x1  }
0x125: {  	v3 =	vadd.s32 v1, v3;
	_ =	sdelay $0x1  }
0x126: {  	s8 =	rddreg [dreg:$0x1e]  }
0x127: {  	[tilespmem:s8], [sflag:$0x1] =	stream.indirect_vreg.gather [hbm4b:s1+s3], $0x80, v4, vm0, $0xb8;
	[tilespmem:$0x18200] =	vst v63  }
0x128: {  	s9 =	rddreg [dreg:$0x1f]  }
0x129: {  	[tilespmem:s9], [sflag:$0x1] =	stream.indirect_vreg.gather [hbm4b:s1+s3], $0x80, v3, vm0, $0xb8;
	[tilespmem:$0x18200] =	vst v63  }
0x12a: {  	v3 =	vld [tilespmem:$0x1B0];
	_ =	sdelay $0x4  }
0x12b: {  	v51 =	vshll.u32 v3, $0x1  }
0x12c: {  	v3 =	vand.u32 $0x7, v3;
	v4 =	vand.u32 $0xFFFFFFF0, v51  }
0x12d: {  	v3 =	vor.u32 v3, v4  }
0x12e: {  	v4 =	vperm.xlane v3, v0;
	_ =	sdelay $0x1  }
0x12f: {  	v3 =	vperm.xlane v3, v2;
	v4 =	vadd.s32 v1, v4;
	_ =	sdelay $0x1  }
0x130: {  	s8 =	sld [smem:$0x7FC];
	v3 =	vadd.s32 v1, v3;
	_ =	sdelay $0x1  }
0x131: {  	s9 =	sld [smem:$0x7FD]  }
0x132: {  	[tilespmem:s8], [sflag:$0x1] =	stream.indirect_vreg.gather [hbm4b:s1+s3], $0x80, v4, vm0, $0xb8;
	[tilespmem:$0x18200] =	vst v63  }
0x133: {  	_ = 	snop  }
0x134: {  	[tilespmem:s9], [sflag:$0x1] =	stream.indirect_vreg.gather [hbm4b:s1+s3], $0x80, v3, vm0, $0xb8;
	[tilespmem:$0x18200] =	vst v63  }
0x135: {  	_ =	swait.ge [sflag:s31], $0xC000  }
0x136: {  	[sflag:s31] =	ssyncset.done $0x0  }
0x137: {  	s9 =	rddreg [dreg:$0x7];
	[sflag:s31] =	ssyncadd.s32 $0xFFFF4000  }
0x138: {  	[hbm4b:s9+s3] =	stream.linear.scatter [tilespmem:s10], [sflag:$0x3], $0xC000, $0x38;
	[tilespmem:$0x18200] =	vst v63  }
0x139: {  	_ =	swait.ge [sflag:s0], $0xC000  }
0x13a: {  	[sflag:s0] =	ssyncset.done $0x0  }
0x13b: {  	s9 =	rddreg [dreg:$0x8];
	[sflag:s0] =	ssyncadd.s32 $0xFFFF4000  }
0x13c: {  	[tilespmem:s3], [sflag:$0x4] =	stream.linear.gather [hbm4b:s9+s3], $0xC0, $0x38;
	[tilespmem:$0x18200] =	vst v63  }
0x13d: {  	_ =	swait.ge [sflag:s5], $0xC0  }
0x13e: {  	[sflag:s5] =	ssyncset.done $0x0  }
0x13f: {  	[sflag:s5] =	ssyncadd.s32 $0xFFFFFF40  }
0x140: {  	v3 =	vld [tilespmem:$0x0];
	_ =	sdelay $0x4  }
0x141: {  	v52 =	vshll.u32 v3, $0x1  }
0x142: {  	v3 =	vand.u32 $0x7, v3;
	v4 =	vand.u32 $0xFFFFFFF0, v52  }
0x143: {  	v3 =	vor.u32 v3, v4  }
0x144: {  	v4 =	vperm.xlane v3, v0;
	_ =	sdelay $0x1  }
0x145: {  	v3 =	vperm.xlane v3, v2;
	v4 =	vadd.s32 v1, v4;
	_ =	sdelay $0x1  }
0x146: {  	v3 =	vadd.s32 v1, v3;
	_ =	sdelay $0x2  }
0x147: {  	[tilespmem:s2], [sflag:$0x1] =	stream.indirect_vreg.gather [hbm4b:s1+s3], $0x80, v4, vm0, $0xb8;
	[tilespmem:$0x18200] =	vst v63  }
0x148: {  	_ = 	snop  }
0x149: {  	[tilespmem:s11], [sflag:$0x1] =	stream.indirect_vreg.gather [hbm4b:s1+s3], $0x80, v3, vm0, $0xb8;
	[tilespmem:$0x18200] =	vst v63  }
0x14a: {  	v3 =	vld [tilespmem:$0x10];
	_ =	sdelay $0x4  }
0x14b: {  	v53 =	vshll.u32 v3, $0x1  }
0x14c: {  	v3 =	vand.u32 $0x7, v3;
	v4 =	vand.u32 $0xFFFFFFF0, v53  }
0x14d: {  	v3 =	vor.u32 v3, v4  }
0x14e: {  	v4 =	vperm.xlane v3, v0;
	_ =	sdelay $0x1  }
0x14f: {  	v3 =	vperm.xlane v3, v2;
	v4 =	vadd.s32 v1, v4;
	_ =	sdelay $0x1  }
0x150: {  	v3 =	vadd.s32 v1, v3;
	_ =	sdelay $0x2  }
0x151: {  	[tilespmem:s12], [sflag:$0x1] =	stream.indirect_vreg.gather [hbm4b:s1+s3], $0x80, v4, vm0, $0xb8;
	[tilespmem:$0x18200] =	vst v63  }
0x152: {  	_ = 	snop  }
0x153: {  	[tilespmem:s13], [sflag:$0x1] =	stream.indirect_vreg.gather [hbm4b:s1+s3], $0x80, v3, vm0, $0xb8;
	[tilespmem:$0x18200] =	vst v63  }
0x154: {  	v3 =	vld [tilespmem:$0x20];
	_ =	sdelay $0x4  }
0x155: {  	v54 =	vshll.u32 v3, $0x1  }
0x156: {  	v3 =	vand.u32 $0x7, v3;
	v4 =	vand.u32 $0xFFFFFFF0, v54  }
0x157: {  	v3 =	vor.u32 v3, v4  }
0x158: {  	v4 =	vperm.xlane v3, v0;
	_ =	sdelay $0x1  }
0x159: {  	v3 =	vperm.xlane v3, v2;
	v4 =	vadd.s32 v1, v4;
	_ =	sdelay $0x1  }
0x15a: {  	v3 =	vadd.s32 v1, v3;
	_ =	sdelay $0x2  }
0x15b: {  	[tilespmem:s14], [sflag:$0x1] =	stream.indirect_vreg.gather [hbm4b:s1+s3], $0x80, v4, vm0, $0xb8;
	[tilespmem:$0x18200] =	vst v63  }
0x15c: {  	_ = 	snop  }
0x15d: {  	[tilespmem:s15], [sflag:$0x1] =	stream.indirect_vreg.gather [hbm4b:s1+s3], $0x80, v3, vm0, $0xb8;
	[tilespmem:$0x18200] =	vst v63  }
0x15e: {  	v3 =	vld [tilespmem:$0x30];
	_ =	sdelay $0x4  }
0x15f: {  	v55 =	vshll.u32 v3, $0x1  }
0x160: {  	v3 =	vand.u32 $0x7, v3;
	v4 =	vand.u32 $0xFFFFFFF0, v55  }
0x161: {  	v3 =	vor.u32 v3, v4  }
0x162: {  	v4 =	vperm.xlane v3, v0;
	_ =	sdelay $0x1  }
0x163: {  	v3 =	vperm.xlane v3, v2;
	v4 =	vadd.s32 v1, v4;
	_ =	sdelay $0x1  }
0x164: {  	v3 =	vadd.s32 v1, v3;
	_ =	sdelay $0x2  }
0x165: {  	[tilespmem:s16], [sflag:$0x1] =	stream.indirect_vreg.gather [hbm4b:s1+s3], $0x80, v4, vm0, $0xb8;
	[tilespmem:$0x18200] =	vst v63  }
0x166: {  	_ = 	snop  }
0x167: {  	[tilespmem:s17], [sflag:$0x1] =	stream.indirect_vreg.gather [hbm4b:s1+s3], $0x80, v3, vm0, $0xb8;
	[tilespmem:$0x18200] =	vst v63  }
0x168: {  	v3 =	vld [tilespmem:$0x40];
	_ =	sdelay $0x4  }
0x169: {  	v56 =	vshll.u32 v3, $0x1  }
0x16a: {  	v3 =	vand.u32 $0x7, v3;
	v4 =	vand.u32 $0xFFFFFFF0, v56  }
0x16b: {  	v3 =	vor.u32 v3, v4  }
0x16c: {  	v4 =	vperm.xlane v3, v0;
	_ =	sdelay $0x1  }
0x16d: {  	v3 =	vperm.xlane v3, v2;
	v4 =	vadd.s32 v1, v4;
	_ =	sdelay $0x1  }
0x16e: {  	v3 =	vadd.s32 v1, v3;
	_ =	sdelay $0x2  }
0x16f: {  	[tilespmem:s18], [sflag:$0x1] =	stream.indirect_vreg.gather [hbm4b:s1+s3], $0x80, v4, vm0, $0xb8;
	[tilespmem:$0x18200] =	vst v63  }
0x170: {  	_ = 	snop  }
0x171: {  	[tilespmem:s19], [sflag:$0x1] =	stream.indirect_vreg.gather [hbm4b:s1+s3], $0x80, v3, vm0, $0xb8;
	[tilespmem:$0x18200] =	vst v63  }
0x172: {  	v3 =	vld [tilespmem:$0x50];
	_ =	sdelay $0x4  }
0x173: {  	v57 =	vshll.u32 v3, $0x1  }
0x174: {  	v3 =	vand.u32 $0x7, v3;
	v4 =	vand.u32 $0xFFFFFFF0, v57  }
0x175: {  	v3 =	vor.u32 v3, v4  }
0x176: {  	v4 =	vperm.xlane v3, v0;
	_ =	sdelay $0x1  }
0x177: {  	v3 =	vperm.xlane v3, v2;
	v4 =	vadd.s32 v1, v4;
	_ =	sdelay $0x1  }
0x178: {  	v3 =	vadd.s32 v1, v3;
	_ =	sdelay $0x2  }
0x179: {  	[tilespmem:s20], [sflag:$0x1] =	stream.indirect_vreg.gather [hbm4b:s1+s3], $0x80, v4, vm0, $0xb8;
	[tilespmem:$0x18200] =	vst v63  }
0x17a: {  	_ = 	snop  }
0x17b: {  	[tilespmem:s21], [sflag:$0x1] =	stream.indirect_vreg.gather [hbm4b:s1+s3], $0x80, v3, vm0, $0xb8;
	[tilespmem:$0x18200] =	vst v63  }
0x17c: {  	v3 =	vld [tilespmem:$0x60];
	_ =	sdelay $0x4  }
0x17d: {  	v58 =	vshll.u32 v3, $0x1  }
0x17e: {  	v3 =	vand.u32 $0x7, v3;
	v4 =	vand.u32 $0xFFFFFFF0, v58  }
0x17f: {  	v3 =	vor.u32 v3, v4  }
0x180: {  	v4 =	vperm.xlane v3, v0;
	_ =	sdelay $0x1  }
0x181: {  	v3 =	vperm.xlane v3, v2;
	v4 =	vadd.s32 v1, v4;
	_ =	sdelay $0x1  }
0x182: {  	v3 =	vadd.s32 v1, v3;
	_ =	sdelay $0x2  }
0x183: {  	[tilespmem:s22], [sflag:$0x1] =	stream.indirect_vreg.gather [hbm4b:s1+s3], $0x80, v4, vm0, $0xb8;
	[tilespmem:$0x18200] =	vst v63  }
0x184: {  	_ = 	snop  }
0x185: {  	[tilespmem:s23], [sflag:$0x1] =	stream.indirect_vreg.gather [hbm4b:s1+s3], $0x80, v3, vm0, $0xb8;
	[tilespmem:$0x18200] =	vst v63  }
0x186: {  	v3 =	vld [tilespmem:$0x70];
	_ =	sdelay $0x4  }
0x187: {  	v59 =	vshll.u32 v3, $0x1  }
0x188: {  	v3 =	vand.u32 $0x7, v3;
	v4 =	vand.u32 $0xFFFFFFF0, v59  }
0x189: {  	v3 =	vor.u32 v3, v4  }
0x18a: {  	v4 =	vperm.xlane v3, v0;
	_ =	sdelay $0x1  }
0x18b: {  	v3 =	vperm.xlane v3, v2;
	v4 =	vadd.s32 v1, v4;
	_ =	sdelay $0x1  }
0x18c: {  	v3 =	vadd.s32 v1, v3;
	_ =	sdelay $0x2  }
0x18d: {  	[tilespmem:s24], [sflag:$0x1] =	stream.indirect_vreg.gather [hbm4b:s1+s3], $0x80, v4, vm0, $0xb8;
	[tilespmem:$0x18200] =	vst v63  }
0x18e: {  	_ = 	snop  }
0x18f: {  	[tilespmem:s25], [sflag:$0x1] =	stream.indirect_vreg.gather [hbm4b:s1+s3], $0x80, v3, vm0, $0xb8;
	[tilespmem:$0x18200] =	vst v63  }
0x190: {  	v3 =	vld [tilespmem:$0x80];
	_ =	sdelay $0x4  }
0x191: {  	v60 =	vshll.u32 v3, $0x1  }
0x192: {  	v3 =	vand.u32 $0x7, v3;
	v4 =	vand.u32 $0xFFFFFFF0, v60  }
0x193: {  	v3 =	vor.u32 v3, v4  }
0x194: {  	v4 =	vperm.xlane v3, v0;
	_ =	sdelay $0x1  }
0x195: {  	v3 =	vperm.xlane v3, v2;
	v4 =	vadd.s32 v1, v4;
	_ =	sdelay $0x1  }
0x196: {  	v3 =	vadd.s32 v1, v3;
	_ =	sdelay $0x2  }
0x197: {  	[tilespmem:s26], [sflag:$0x1] =	stream.indirect_vreg.gather [hbm4b:s1+s3], $0x80, v4, vm0, $0xb8;
	[tilespmem:$0x18200] =	vst v63  }
0x198: {  	_ = 	snop  }
0x199: {  	[tilespmem:s28], [sflag:$0x1] =	stream.indirect_vreg.gather [hbm4b:s1+s3], $0x80, v3, vm0, $0xb8;
	[tilespmem:$0x18200] =	vst v63  }
0x19a: {  	v3 =	vld [tilespmem:$0x90];
	_ =	sdelay $0x4  }
0x19b: {  	v61 =	vshll.u32 v3, $0x1  }
0x19c: {  	v3 =	vand.u32 $0x7, v3;
	v4 =	vand.u32 $0xFFFFFFF0, v61  }
0x19d: {  	v3 =	vor.u32 v3, v4  }
0x19e: {  	v4 =	vperm.xlane v3, v0;
	_ =	sdelay $0x1  }
0x19f: {  	v3 =	vperm.xlane v3, v2;
	v4 =	vadd.s32 v1, v4;
	_ =	sdelay $0x1  }
0x1a0: {  	v3 =	vadd.s32 v1, v3;
	_ =	sdelay $0x2  }
0x1a1: {  	[tilespmem:s29], [sflag:$0x1] =	stream.indirect_vreg.gather [hbm4b:s1+s3], $0x80, v4, vm0, $0xb8;
	[tilespmem:$0x18200] =	vst v63  }
0x1a2: {  	_ = 	snop  }
0x1a3: {  	[tilespmem:s30], [sflag:$0x1] =	stream.indirect_vreg.gather [hbm4b:s1+s3], $0x80, v3, vm0, $0xb8;
	[tilespmem:$0x18200] =	vst v63  }
0x1a4: {  	v3 =	vld [tilespmem:$0xA0];
	_ =	sdelay $0x4  }
0x1a5: {  	v62 =	vshll.u32 v3, $0x1  }
0x1a6: {  	v3 =	vand.u32 $0x7, v3;
	v4 =	vand.u32 $0xFFFFFFF0, v62  }
0x1a7: {  	v3 =	vor.u32 v3, v4  }
0x1a8: {  	v4 =	vperm.xlane v3, v0;
	_ =	sdelay $0x1  }
0x1a9: {  	v3 =	vperm.xlane v3, v2;
	v4 =	vadd.s32 v1, v4;
	_ =	sdelay $0x1  }
0x1aa: {  	v3 =	vadd.s32 v1, v3;
	_ =	sdelay $0x1  }
0x1ab: {  	s10 =	simm.s32 $0xA200  }
0x1ac: {  	[tilespmem:s10], [sflag:$0x1] =	stream.indirect_vreg.gather [hbm4b:s1+s3], $0x80, v4, vm0, $0xb8;
	[tilespmem:$0x18200] =	vst v63  }
0x1ad: {  	_ = 	snop  }
0x1ae: {  	[tilespmem:s7], [sflag:$0x1] =	stream.indirect_vreg.gather [hbm4b:s1+s3], $0x80, v3, vm0, $0xb8;
	[tilespmem:$0x18200] =	vst v63  }
0x1af: {  	v3 =	vld [tilespmem:$0xB0];
	_ =	sdelay $0x4  }
0x1b0: {  	v63 =	vshll.u32 v3, $0x1  }
0x1b1: {  	v3 =	vand.u32 $0x7, v3;
	v4 =	vand.u32 $0xFFFFFFF0, v63  }
0x1b2: {  	v3 =	vor.u32 v3, v4  }
0x1b3: {  	v4 =	vperm.xlane v3, v0;
	_ =	sdelay $0x1  }
0x1b4: {  	v3 =	vperm.xlane v3, v2;
	v4 =	vadd.s32 v1, v4;
	_ =	sdelay $0x1  }
0x1b5: {  	v3 =	vadd.s32 v1, v3;
	_ =	sdelay $0x2  }
0x1b6: {  	[tilespmem:s6], [sflag:$0x1] =	stream.indirect_vreg.gather [hbm4b:s1+s3], $0x80, v4, vm0, $0xb8;
	[tilespmem:$0x18200] =	vst v63  }
0x1b7: {  	s8 =	simm.s32 $0xBA00  }
0x1b8: {  	[tilespmem:s8], [sflag:$0x1] =	stream.indirect_vreg.gather [hbm4b:s1+s3], $0x80, v3, vm0, $0xb8;
	[tilespmem:$0x18200] =	vst v63  }
0x1b9: {  	_ =	swait.ge [sflag:s31], $0xC000  }
0x1ba: {  	[sflag:s31] =	ssyncset.done $0x0  }
0x1bb: {  	s10 =	simm.s32 $0x3;
	s9 =	rddreg [dreg:$0x9];
	[sflag:s31] =	ssyncadd.s32 $0xFFFF4000  }
0x1bc: {  	[hbm4b:s9+s3] =	stream.linear.scatter [tilespmem:s2], [sflag:$0x2], $0xC000, $0x38;
	[tilespmem:$0x18200] =	vst v63  }
0x1bd: {  	p0 =	sne.s32 s4, $0x1;
	_ =	swait.ge [sflag:s10], $0xC000  }
.Ltmp0:
0x1be: {  	[sflag:s10] =	ssyncset.done $0x0;
	(pc) =	sbr.rel @p0 .LBB2_1-.Ltmp0, $4  }
0x1bf: {  	[sflag:s10] =	ssyncadd.s32 $0xFFFF4000  }
0x1c0: {  	_ =	swait.ge [sflag:s0], $0xC000  }
0x1c1: {  	[sflag:s0] =	ssyncset.done $0x0  }
0x1c2: {  	s4 =	sadd.s32 $0xFFFFFFFF, s4;
	[sflag:s0] =	ssyncadd.s32 $0xFFFF4000  }
0x1c3: {  	_ =	sfence.sel $0x180000  }
0x1c4: {  	[bflag:$0x0] =	sbarrier.arrive $0xFFFF  }
0x1c5: {  	_ =	strace $0x90000047  }
0x1c6: {  	s0 =	stileid.u32;
	[bflag:$0x2] =	sbarrier.arrive $0xFFFF  }
0x1c7: {  	p0 =	sne.s32 s0, $0x0;
	s0 =	rddreg [dreg:$0x3]  }
0x1c8: {  	s0 =	sadd.s32 @!p0 $0x100000, s0  }
0x1c9: {  	[sflag:s0] =	ssyncadd.tile.s32 @!p0 $0x1;
	_ =	shalt  }
.Lfunc_end2:
_tile_overlayer_lowered:
.L_overlay_start_2:
0x1ca: {  	(tag) =	ssettag $0x2  }
0x1cb: {  	s0 =	rddreg [dreg:$0x0];
	s2 =	stileid.u32  }
0x1cc: {  	s1 =	rddreg [dreg:$0x1];
	p0 =	sne.s32 s2, $0x0  }
0x1cd: {  	s3 =	rddreg [dreg:$0x2];
	[bflag:$0x3] =	sbarrier.arrive $0xFFFF;
	s2 =	simm.s32 @!p0 $0x1C04  }
0x1ce: {  	[timem:s3], [sflag:s2] =	dma.local @!p0 [hbm:s0], s1  }
0x1cf: {  	s0 =	simm.s32 @!p0 $0x4  }
0x1d0: {  	_ =	swait.ge @!p0 [sflag:s0], s1  }
0x1d1: {  	s1 =	ssub.s32 @!p0 $0x0, s1;
	[sflag:s0] =	ssyncset.done @!p0 $0x0  }
0x1d2: {  	[sflag:s0] =	ssyncadd.s32 @!p0 s1  }
0x1d3: {  	[bflag:$0x3] =	sbarrier.arrive $0xFFFF  }
0x1d4: {  	_ =	shalt  }

</sc_bundles>
